<compile_context>
chip_gen: v7x
topology: tpu7x:2x2x1
jax: 0.10.2.dev20260603
libtpu: 0.0.44.dev20260713+nightly
codegen_flags: <defaults>
</compile_context>

<pallas_src>
import functools

import jax
import jax.numpy as jnp
from jax import lax
from jax.experimental import pallas as pl
from jax.experimental.pallas import tpu as pltpu
from jax.experimental.pallas import tpu_sc as plsc

NC = 2
NS = 16
L = 16
N_IDX = 16384
VOCAB = 100000
EMB = 64
CHUNK = 128
IDX_PER_TILE = N_IDX // (NC * NS)
CHUNKS_PER_TILE = IDX_PER_TILE // CHUNK
STRIPE = 8192
N_STRIPES = VOCAB // 5000
Z = N_STRIPES * STRIPE // NS
R = NS * Z
TBK = 5000
N_STREAMS = 4
GRID_K = VOCAB // (TBK * N_STREAMS)
QOFF = GRID_K
C1_OFF = R // STRIPE


def _sc_histogram(effects2d):
    mesh = plsc.VectorSubcoreMesh(
        core_axis_name="c", subcore_axis_name="s",
        num_cores=NC, num_subcores=NS,
    )

    @functools.partial(
        pl.kernel,
        out_type=jax.ShapeDtypeStruct((NC * R,), jnp.float32),
        mesh=mesh,
        scratch_types=[
            pltpu.VMEM((CHUNKS_PER_TILE, CHUNK), jnp.int32),
            pltpu.VMEM((CHUNK,), jnp.float32),
            pltpu.VMEM((Z,), jnp.float32),
            pltpu.VMEM_SHARED((R,), jnp.float32),
        ],
    )
    def k(eff_hbm, out_hbm, idx_v, ones_v, zero_v, hist_sh):
        cid = lax.axis_index("c")
        sid = lax.axis_index("s")

        base = (cid * NS + sid) * IDX_PER_TILE
        for j in range(CHUNKS_PER_TILE):
            pltpu.sync_copy(eff_hbm.at[pl.ds(base + j * CHUNK, CHUNK)],
                            idx_v.at[j])

        for j in range(CHUNKS_PER_TILE):
            def rbody(i, _, _j=j):
                v = idx_v[_j, pl.ds(i * L, L)]
                q = ((v.astype(jnp.float32) + 0.5)
                     * jnp.float32(2e-04)).astype(jnp.int32)
                idx_v[_j, pl.ds(i * L, L)] = v + q * 3192
                return 0
            lax.fori_loop(0, CHUNK // L, rbody, 0)

        for i in range(CHUNK // L):
            ones_v[pl.ds(i * L, L)] = jnp.ones((L,), jnp.float32)

        def zbody(i, _):
            for u in range(8):
                zero_v[pl.ds((i * 8 + u) * L, L)] = jnp.zeros((L,),
                                                              jnp.float32)
            return 0
        lax.fori_loop(0, Z // (8 * L), zbody, 0)

        pltpu.sync_copy(zero_v, hist_sh.at[pl.ds(sid * Z, Z)])
        plsc.subcore_barrier()

        for j in range(CHUNKS_PER_TILE):
            pltpu.sync_copy(ones_v, hist_sh.at[idx_v.at[j]], add=True)
        plsc.subcore_barrier()

        pltpu.sync_copy(hist_sh.at[pl.ds(sid * Z, Z)],
                        out_hbm.at[pl.ds(cid * R + sid * Z, Z)])

    return k(effects2d)


def _tc_weighted_sum(counts, table, W, b2d):
    def body(*refs):
        (c_refs, t_refs, w_ref, b_ref, o_ref, acc_ref) = (
            refs[:2 * N_STREAMS],
            refs[2 * N_STREAMS:3 * N_STREAMS],
            refs[3 * N_STREAMS], refs[3 * N_STREAMS + 1],
            refs[3 * N_STREAMS + 2], refs[3 * N_STREAMS + 3])
        kstep = pl.program_id(0)

        @pl.when(kstep == 0)
        def _():
            acc_ref[...] = jnp.zeros_like(acc_ref)

        part = None
        for q in range(N_STREAMS):
            c = (c_refs[2 * q][...] + c_refs[2 * q + 1][...])[:TBK]
            prod = t_refs[q][...] * c[:, None]
            p = jnp.sum(prod, axis=0, keepdims=True)
            part = p if part is None else part + p
        acc_ref[...] += part

        @pl.when(kstep == GRID_K - 1)
        def _():
            pooled = acc_ref[...] * (1.0 / N_IDX)
            o_ref[...] = jax.lax.dot_general(
                pooled, w_ref[...], (((1,), (1,)), ((), ())),
                preferred_element_type=jnp.float32) + b_ref[...]

    count_specs = []
    table_specs = []
    for q in range(N_STREAMS):
        count_specs.append(
            pl.BlockSpec((STRIPE,), lambda k, _q=q: (k + _q * QOFF,)))
        count_specs.append(
            pl.BlockSpec((STRIPE,), lambda k, _q=q: (k + _q * QOFF + C1_OFF,)))
        table_specs.append(
            pl.BlockSpec((TBK, EMB), lambda k, _q=q: (k + _q * QOFF, 0)))

    return pl.pallas_call(
        body,
        grid=(GRID_K,),
        in_specs=count_specs + table_specs + [
            pl.BlockSpec((EMB, EMB), lambda k: (0, 0)),
            pl.BlockSpec((1, EMB), lambda k: (0, 0)),
        ],
        out_specs=pl.BlockSpec((1, EMB), lambda k: (0, 0)),
        out_shape=jax.ShapeDtypeStruct((1, EMB), jnp.float32),
        scratch_shapes=[pltpu.VMEM((1, EMB), jnp.float32)],
        compiler_params=pltpu.CompilerParams(
            dimension_semantics=("arbitrary",)),
    )(*([counts] * (2 * N_STREAMS)), *([table] * N_STREAMS), W, b2d)


def kernel(effects, table, W, b):
    counts = _sc_histogram(effects)
    out = _tc_weighted_sum(counts, table, W, b.reshape(1, EMB))
    return out.reshape(EMB)

# --- scband reference (transcript-rebuilt; emitter-appended) ---
"""Pipeline reference for scband-effect-encoder-43224550867020 (READ-ONLY COPY).

The authoritative reference and input builder live on the scoring server;
editing this copy changes nothing except your own understanding.
"""

import jax, jax.numpy as jnp
import numpy as np

VOCAB = 100000
EMB = 64
N_EFFECTS = 16384


def setup_inputs(seed: int = 0) -> dict:
    key = jax.random.key(seed)
    k1, k2, k3, k4 = jax.random.split(key, 4)
    effects = jax.random.randint(k1, (N_EFFECTS,), 0, VOCAB, dtype=jnp.int32)
    table = jax.random.normal(k2, (VOCAB, EMB), dtype=jnp.float32)
    W = jax.random.normal(k3, (EMB, EMB), dtype=jnp.float32) * (1.0 / np.sqrt(EMB))
    b = jax.random.normal(k4, (EMB,), dtype=jnp.float32) * 0.01
    return {"effects": effects, "table": table, "W": W, "b": b}


def reference(effects, table, W, b):
    # embedding lookup: effect indices -> embeddings
    embeddings = jnp.take(table, effects, axis=0)  # [N, EMB]
    # mean-pool over the effects list
    pooled = embeddings.mean(axis=0)  # [EMB]
    # nn.Linear: y = x @ W.T + b
    aggregated = pooled @ W.T + b  # [EMB]
    return aggregated

if __name__ == "__main__":
    import jax
    _d = setup_inputs()
    print(jax.jit(kernel)(*tuple(_d.values())))

</pallas_src>

<mosaic_0001>
#map = affine_map<(d0, d1) -> (0)>
module attributes {stable_mosaic.version = 14 : i64} {
  func.func @k(%arg0: i32, %arg1: i32, %arg2: memref<16384xi32, #tpu.memory_space<hbm>>, %arg3: memref<327680xf32, #tpu.memory_space<hbm>>, %arg4: memref<4x128xi32, #tpu.memory_space<vmem>>, %arg5: memref<128xf32, #tpu.memory_space<vmem>>, %arg6: memref<10240xf32, #tpu.memory_space<vmem>>, %arg7: memref<163840xf32, #tpu.memory_space<vmem_shared>>) attributes {dimension_semantics = [#tpu.dimension_semantics<core_parallel>, #tpu.dimension_semantics<subcore_parallel>], iteration_bounds = array<i64: 2, 16>, scalar_prefetch = 0 : i64, scratch_operands = 4 : i64, tpu.core_type = #tpu.core_type<sc_vector_subcore>, window_params = [{transform_indices = #map}, {transform_indices = #map}]} {
    %mul3A = arith.constant 16 : i32
    %mul3A_0 = arith.muli %arg0, %mul3A : i32
    %add3A = arith.addi %mul3A_0, %arg1 : i32
    %mul3A_1 = arith.constant 512 : i32
    %mul3A_2 = arith.muli %add3A, %mul3A_1 : i32
    %add3A_3 = arith.constant 0 : i32
    %add3A_4 = arith.addi %mul3A_2, %add3A_3 : i32
    %run_scoped3A = arith.constant 0 : i32
    "tpu.region"() ({
      %run_scoped3A_108 = tpu.sem_alloc : memref<!tpu.dma_semaphore, #tpu.memory_space<semaphore_mem>>
      %dma_start3A = arith.constant 0 : i32
      %dma_start3A_109 = tpu.memref_slice %arg4[%run_scoped3A, %dma_start3A] : memref<4x128xi32, #tpu.memory_space<vmem>> -> memref<1x128xi32, #tpu.memory_space<vmem>>
      %dma_start3A_110 = tpu.memref_squeeze %dma_start3A_109 : memref<1x128xi32, #tpu.memory_space<vmem>> -> memref<128xi32, #tpu.memory_space<vmem>>
      %dma_start3A_111 = tpu.memref_slice %arg2[%add3A_4] : memref<16384xi32, #tpu.memory_space<hbm>> -> memref<128xi32, #tpu.memory_space<hbm>>
      %dma_start3A_112 = arith.constant 0 : i32
      %dma_start3A_113 = tpu.memref_slice %arg4[%run_scoped3A, %dma_start3A_112] : memref<4x128xi32, #tpu.memory_space<vmem>> -> memref<1x128xi32, #tpu.memory_space<vmem>>
      %dma_start3A_114 = tpu.memref_squeeze %dma_start3A_113 : memref<1x128xi32, #tpu.memory_space<vmem>> -> memref<128xi32, #tpu.memory_space<vmem>>
      %dma_start3A_115 = tpu.memref_slice %arg2[%add3A_4] : memref<16384xi32, #tpu.memory_space<hbm>> -> memref<128xi32, #tpu.memory_space<hbm>>
      tpu.enqueue_dma source(%dma_start3A_115 : memref<128xi32, #tpu.memory_space<hbm>>) target(%dma_start3A_114 : memref<128xi32, #tpu.memory_space<vmem>>) target_semaphore(%run_scoped3A_108 : memref<!tpu.dma_semaphore, #tpu.memory_space<semaphore_mem>>)
      %dma_wait3A = arith.constant 0 : i32
      %dma_wait3A_116 = tpu.memref_slice %arg4[%run_scoped3A, %dma_wait3A] : memref<4x128xi32, #tpu.memory_space<vmem>> -> memref<1x128xi32, #tpu.memory_space<vmem>>
      %dma_wait3A_117 = tpu.memref_squeeze %dma_wait3A_116 : memref<1x128xi32, #tpu.memory_space<vmem>> -> memref<128xi32, #tpu.memory_space<vmem>>
      %dma_wait3A_118 = tpu.memref_slice %arg2[%add3A_4] : memref<16384xi32, #tpu.memory_space<hbm>> -> memref<128xi32, #tpu.memory_space<hbm>>
      %dma_wait3A_119 = arith.constant 0 : i32
      %dma_wait3A_120 = tpu.memref_slice %arg4[%run_scoped3A, %dma_wait3A_119] : memref<4x128xi32, #tpu.memory_space<vmem>> -> memref<1x128xi32, #tpu.memory_space<vmem>>
      %dma_wait3A_121 = tpu.memref_squeeze %dma_wait3A_120 : memref<1x128xi32, #tpu.memory_space<vmem>> -> memref<128xi32, #tpu.memory_space<vmem>>
      %dma_wait3A_122 = tpu.memref_slice %arg2[%add3A_4] : memref<16384xi32, #tpu.memory_space<hbm>> -> memref<128xi32, #tpu.memory_space<hbm>>
      tpu.wait_dma2 semaphore(%run_scoped3A_108 : memref<!tpu.dma_semaphore, #tpu.memory_space<semaphore_mem>>) src(%dma_wait3A_122 : memref<128xi32, #tpu.memory_space<hbm>>) dst(%dma_wait3A_121 : memref<128xi32, #tpu.memory_space<vmem>>)
      tpu.yield
    }) : () -> ()
    %add3A_5 = arith.constant 128 : i32
    %add3A_6 = arith.addi %mul3A_2, %add3A_5 : i32
    %run_scoped3A_7 = arith.constant 1 : i32
    "tpu.region"() ({
      %run_scoped3A_108 = tpu.sem_alloc : memref<!tpu.dma_semaphore, #tpu.memory_space<semaphore_mem>>
      %dma_start3A = arith.constant 0 : i32
      %dma_start3A_109 = tpu.memref_slice %arg4[%run_scoped3A_7, %dma_start3A] : memref<4x128xi32, #tpu.memory_space<vmem>> -> memref<1x128xi32, #tpu.memory_space<vmem>>
      %dma_start3A_110 = tpu.memref_squeeze %dma_start3A_109 : memref<1x128xi32, #tpu.memory_space<vmem>> -> memref<128xi32, #tpu.memory_space<vmem>>
      %dma_start3A_111 = tpu.memref_slice %arg2[%add3A_6] : memref<16384xi32, #tpu.memory_space<hbm>> -> memref<128xi32, #tpu.memory_space<hbm>>
      %dma_start3A_112 = arith.constant 0 : i32
      %dma_start3A_113 = tpu.memref_slice %arg4[%run_scoped3A_7, %dma_start3A_112] : memref<4x128xi32, #tpu.memory_space<vmem>> -> memref<1x128xi32, #tpu.memory_space<vmem>>
      %dma_start3A_114 = tpu.memref_squeeze %dma_start3A_113 : memref<1x128xi32, #tpu.memory_space<vmem>> -> memref<128xi32, #tpu.memory_space<vmem>>
      %dma_start3A_115 = tpu.memref_slice %arg2[%add3A_6] : memref<16384xi32, #tpu.memory_space<hbm>> -> memref<128xi32, #tpu.memory_space<hbm>>
      tpu.enqueue_dma source(%dma_start3A_115 : memref<128xi32, #tpu.memory_space<hbm>>) target(%dma_start3A_114 : memref<128xi32, #tpu.memory_space<vmem>>) target_semaphore(%run_scoped3A_108 : memref<!tpu.dma_semaphore, #tpu.memory_space<semaphore_mem>>)
      %dma_wait3A = arith.constant 0 : i32
      %dma_wait3A_116 = tpu.memref_slice %arg4[%run_scoped3A_7, %dma_wait3A] : memref<4x128xi32, #tpu.memory_space<vmem>> -> memref<1x128xi32, #tpu.memory_space<vmem>>
      %dma_wait3A_117 = tpu.memref_squeeze %dma_wait3A_116 : memref<1x128xi32, #tpu.memory_space<vmem>> -> memref<128xi32, #tpu.memory_space<vmem>>
      %dma_wait3A_118 = tpu.memref_slice %arg2[%add3A_6] : memref<16384xi32, #tpu.memory_space<hbm>> -> memref<128xi32, #tpu.memory_space<hbm>>
      %dma_wait3A_119 = arith.constant 0 : i32
      %dma_wait3A_120 = tpu.memref_slice %arg4[%run_scoped3A_7, %dma_wait3A_119] : memref<4x128xi32, #tpu.memory_space<vmem>> -> memref<1x128xi32, #tpu.memory_space<vmem>>
      %dma_wait3A_121 = tpu.memref_squeeze %dma_wait3A_120 : memref<1x128xi32, #tpu.memory_space<vmem>> -> memref<128xi32, #tpu.memory_space<vmem>>
      %dma_wait3A_122 = tpu.memref_slice %arg2[%add3A_6] : memref<16384xi32, #tpu.memory_space<hbm>> -> memref<128xi32, #tpu.memory_space<hbm>>
      tpu.wait_dma2 semaphore(%run_scoped3A_108 : memref<!tpu.dma_semaphore, #tpu.memory_space<semaphore_mem>>) src(%dma_wait3A_122 : memref<128xi32, #tpu.memory_space<hbm>>) dst(%dma_wait3A_121 : memref<128xi32, #tpu.memory_space<vmem>>)
      tpu.yield
    }) : () -> ()
    %add3A_8 = arith.constant 256 : i32
    %add3A_9 = arith.addi %mul3A_2, %add3A_8 : i32
    %run_scoped3A_10 = arith.constant 2 : i32
    "tpu.region"() ({
      %run_scoped3A_108 = tpu.sem_alloc : memref<!tpu.dma_semaphore, #tpu.memory_space<semaphore_mem>>
      %dma_start3A = arith.constant 0 : i32
      %dma_start3A_109 = tpu.memref_slice %arg4[%run_scoped3A_10, %dma_start3A] : memref<4x128xi32, #tpu.memory_space<vmem>> -> memref<1x128xi32, #tpu.memory_space<vmem>>
      %dma_start3A_110 = tpu.memref_squeeze %dma_start3A_109 : memref<1x128xi32, #tpu.memory_space<vmem>> -> memref<128xi32, #tpu.memory_space<vmem>>
      %dma_start3A_111 = tpu.memref_slice %arg2[%add3A_9] : memref<16384xi32, #tpu.memory_space<hbm>> -> memref<128xi32, #tpu.memory_space<hbm>>
      %dma_start3A_112 = arith.constant 0 : i32
      %dma_start3A_113 = tpu.memref_slice %arg4[%run_scoped3A_10, %dma_start3A_112] : memref<4x128xi32, #tpu.memory_space<vmem>> -> memref<1x128xi32, #tpu.memory_space<vmem>>
      %dma_start3A_114 = tpu.memref_squeeze %dma_start3A_113 : memref<1x128xi32, #tpu.memory_space<vmem>> -> memref<128xi32, #tpu.memory_space<vmem>>
      %dma_start3A_115 = tpu.memref_slice %arg2[%add3A_9] : memref<16384xi32, #tpu.memory_space<hbm>> -> memref<128xi32, #tpu.memory_space<hbm>>
      tpu.enqueue_dma source(%dma_start3A_115 : memref<128xi32, #tpu.memory_space<hbm>>) target(%dma_start3A_114 : memref<128xi32, #tpu.memory_space<vmem>>) target_semaphore(%run_scoped3A_108 : memref<!tpu.dma_semaphore, #tpu.memory_space<semaphore_mem>>)
      %dma_wait3A = arith.constant 0 : i32
      %dma_wait3A_116 = tpu.memref_slice %arg4[%run_scoped3A_10, %dma_wait3A] : memref<4x128xi32, #tpu.memory_space<vmem>> -> memref<1x128xi32, #tpu.memory_space<vmem>>
      %dma_wait3A_117 = tpu.memref_squeeze %dma_wait3A_116 : memref<1x128xi32, #tpu.memory_space<vmem>> -> memref<128xi32, #tpu.memory_space<vmem>>
      %dma_wait3A_118 = tpu.memref_slice %arg2[%add3A_9] : memref<16384xi32, #tpu.memory_space<hbm>> -> memref<128xi32, #tpu.memory_space<hbm>>
      %dma_wait3A_119 = arith.constant 0 : i32
      %dma_wait3A_120 = tpu.memref_slice %arg4[%run_scoped3A_10, %dma_wait3A_119] : memref<4x128xi32, #tpu.memory_space<vmem>> -> memref<1x128xi32, #tpu.memory_space<vmem>>
      %dma_wait3A_121 = tpu.memref_squeeze %dma_wait3A_120 : memref<1x128xi32, #tpu.memory_space<vmem>> -> memref<128xi32, #tpu.memory_space<vmem>>
      %dma_wait3A_122 = tpu.memref_slice %arg2[%add3A_9] : memref<16384xi32, #tpu.memory_space<hbm>> -> memref<128xi32, #tpu.memory_space<hbm>>
      tpu.wait_dma2 semaphore(%run_scoped3A_108 : memref<!tpu.dma_semaphore, #tpu.memory_space<semaphore_mem>>) src(%dma_wait3A_122 : memref<128xi32, #tpu.memory_space<hbm>>) dst(%dma_wait3A_121 : memref<128xi32, #tpu.memory_space<vmem>>)
      tpu.yield
    }) : () -> ()
    %add3A_11 = arith.constant 384 : i32
    %add3A_12 = arith.addi %mul3A_2, %add3A_11 : i32
    %run_scoped3A_13 = arith.constant 3 : i32
    "tpu.region"() ({
      %run_scoped3A_108 = tpu.sem_alloc : memref<!tpu.dma_semaphore, #tpu.memory_space<semaphore_mem>>
      %dma_start3A = arith.constant 0 : i32
      %dma_start3A_109 = tpu.memref_slice %arg4[%run_scoped3A_13, %dma_start3A] : memref<4x128xi32, #tpu.memory_space<vmem>> -> memref<1x128xi32, #tpu.memory_space<vmem>>
      %dma_start3A_110 = tpu.memref_squeeze %dma_start3A_109 : memref<1x128xi32, #tpu.memory_space<vmem>> -> memref<128xi32, #tpu.memory_space<vmem>>
      %dma_start3A_111 = tpu.memref_slice %arg2[%add3A_12] : memref<16384xi32, #tpu.memory_space<hbm>> -> memref<128xi32, #tpu.memory_space<hbm>>
      %dma_start3A_112 = arith.constant 0 : i32
      %dma_start3A_113 = tpu.memref_slice %arg4[%run_scoped3A_13, %dma_start3A_112] : memref<4x128xi32, #tpu.memory_space<vmem>> -> memref<1x128xi32, #tpu.memory_space<vmem>>
      %dma_start3A_114 = tpu.memref_squeeze %dma_start3A_113 : memref<1x128xi32, #tpu.memory_space<vmem>> -> memref<128xi32, #tpu.memory_space<vmem>>
      %dma_start3A_115 = tpu.memref_slice %arg2[%add3A_12] : memref<16384xi32, #tpu.memory_space<hbm>> -> memref<128xi32, #tpu.memory_space<hbm>>
      tpu.enqueue_dma source(%dma_start3A_115 : memref<128xi32, #tpu.memory_space<hbm>>) target(%dma_start3A_114 : memref<128xi32, #tpu.memory_space<vmem>>) target_semaphore(%run_scoped3A_108 : memref<!tpu.dma_semaphore, #tpu.memory_space<semaphore_mem>>)
      %dma_wait3A = arith.constant 0 : i32
      %dma_wait3A_116 = tpu.memref_slice %arg4[%run_scoped3A_13, %dma_wait3A] : memref<4x128xi32, #tpu.memory_space<vmem>> -> memref<1x128xi32, #tpu.memory_space<vmem>>
      %dma_wait3A_117 = tpu.memref_squeeze %dma_wait3A_116 : memref<1x128xi32, #tpu.memory_space<vmem>> -> memref<128xi32, #tpu.memory_space<vmem>>
      %dma_wait3A_118 = tpu.memref_slice %arg2[%add3A_12] : memref<16384xi32, #tpu.memory_space<hbm>> -> memref<128xi32, #tpu.memory_space<hbm>>
      %dma_wait3A_119 = arith.constant 0 : i32
      %dma_wait3A_120 = tpu.memref_slice %arg4[%run_scoped3A_13, %dma_wait3A_119] : memref<4x128xi32, #tpu.memory_space<vmem>> -> memref<1x128xi32, #tpu.memory_space<vmem>>
      %dma_wait3A_121 = tpu.memref_squeeze %dma_wait3A_120 : memref<1x128xi32, #tpu.memory_space<vmem>> -> memref<128xi32, #tpu.memory_space<vmem>>
      %dma_wait3A_122 = tpu.memref_slice %arg2[%add3A_12] : memref<16384xi32, #tpu.memory_space<hbm>> -> memref<128xi32, #tpu.memory_space<hbm>>
      tpu.wait_dma2 semaphore(%run_scoped3A_108 : memref<!tpu.dma_semaphore, #tpu.memory_space<semaphore_mem>>) src(%dma_wait3A_122 : memref<128xi32, #tpu.memory_space<hbm>>) dst(%dma_wait3A_121 : memref<128xi32, #tpu.memory_space<vmem>>)
      tpu.yield
    }) : () -> ()
    %scan3A = arith.constant 0 : i32
    %scan3A_14 = arith.constant 0 : i32
    %scan3A_15 = arith.constant 8 : i32
    %scan3A_16 = arith.addi %scan3A_14, %scan3A_15 : i32
    %scan3A_17 = arith.constant 1 : i32
    %scan3A_18 = scf.for %scan3A_108 = %scan3A_14 to %scan3A_16 step %scan3A_17 iter_args(%scan3A_109 = %scan3A) -> (i32)  : i32 {
      %mul3A_110 = arith.constant 16 : i32
      %mul3A_111 = arith.muli %scan3A_108, %mul3A_110 : i32
      %get3A = arith.constant 0 : i32
      %get3A_112 = arith.index_cast %get3A : i32 to index
      %get3A_113 = arith.index_cast %mul3A_111 : i32 to index
      %get3A_114 = tpu.vector_load %arg4[%get3A_112, %get3A_113] {strides = array<i32>} : memref<4x128xi32, #tpu.memory_space<vmem>>, vector<1x16xi32>,
      %get3A_115 = vector.shape_cast %get3A_114 : vector<1x16xi32> to vector<16xi32>
      %convert_element_type3A = arith.sitofp %get3A_115 : vector<16xi32> to vector<16xf32>
      %add3A_116 = arith.constant 5.000000e-01 : f32
      %add3A_117 = vector.broadcast %add3A_116 : f32 to vector<16xf32>
      %add3A_118 = arith.addf %convert_element_type3A, %add3A_117 : vector<16xf32>
      %mul3A_119 = arith.constant 2.000000e-04 : f32
      %mul3A_120 = vector.broadcast %mul3A_119 : f32 to vector<16xf32>
      %mul3A_121 = arith.mulf %add3A_118, %mul3A_120 : vector<16xf32>
      %convert_element_type3A_122 = arith.fptosi %mul3A_121 : vector<16xf32> to vector<16xi32>
      %mul3A_123 = arith.constant 3192 : i32
      %mul3A_124 = vector.broadcast %mul3A_123 : i32 to vector<16xi32>
      %mul3A_125 = arith.muli %convert_element_type3A_122, %mul3A_124 : vector<16xi32>
      %add3A_126 = arith.addi %get3A_115, %mul3A_125 : vector<16xi32>
      %mul3A_127 = arith.constant 16 : i32
      %mul3A_128 = arith.muli %scan3A_108, %mul3A_127 : i32
      %swap3A_129 = arith.constant 0 : i32
      %swap3A_130 = arith.index_cast %swap3A_129 : i32 to index
      %swap3A_131 = arith.index_cast %mul3A_128 : i32 to index
      %swap3A_132 = tpu.vector_load %arg4[%swap3A_130, %swap3A_131] {strides = array<i32>} : memref<4x128xi32, #tpu.memory_space<vmem>>, vector<1x16xi32>,
      %swap3A_133 = vector.shape_cast %swap3A_132 : vector<1x16xi32> to vector<16xi32>
      %swap3A_134 = vector.shape_cast %add3A_126 : vector<16xi32> to vector<1x16xi32>
      tpu.vector_store %arg4[%swap3A_130, %swap3A_131], %swap3A_134 {strides = array<i32>} : memref<4x128xi32, #tpu.memory_space<vmem>>, vector<1x16xi32>,
      %scan3A_135 = arith.constant 0 : i32
      scf.yield %scan3A_135 : i32
    }
    %scan3A_19 = arith.constant 8 : i32
    %scan3A_20 = arith.constant 0 : i32
    %scan3A_21 = arith.constant 0 : i32
    %scan3A_22 = arith.constant 8 : i32
    %scan3A_23 = arith.addi %scan3A_21, %scan3A_22 : i32
    %scan3A_24 = arith.constant 1 : i32
    %scan3A_25 = scf.for %scan3A_108 = %scan3A_21 to %scan3A_23 step %scan3A_24 iter_args(%scan3A_109 = %scan3A_20) -> (i32)  : i32 {
      %mul3A_110 = arith.constant 16 : i32
      %mul3A_111 = arith.muli %scan3A_108, %mul3A_110 : i32
      %get3A = arith.constant 1 : i32
      %get3A_112 = arith.index_cast %get3A : i32 to index
      %get3A_113 = arith.index_cast %mul3A_111 : i32 to index
      %get3A_114 = tpu.vector_load %arg4[%get3A_112, %get3A_113] {strides = array<i32>} : memref<4x128xi32, #tpu.memory_space<vmem>>, vector<1x16xi32>,
      %get3A_115 = vector.shape_cast %get3A_114 : vector<1x16xi32> to vector<16xi32>
      %convert_element_type3A = arith.sitofp %get3A_115 : vector<16xi32> to vector<16xf32>
      %add3A_116 = arith.constant 5.000000e-01 : f32
      %add3A_117 = vector.broadcast %add3A_116 : f32 to vector<16xf32>
      %add3A_118 = arith.addf %convert_element_type3A, %add3A_117 : vector<16xf32>
      %mul3A_119 = arith.constant 2.000000e-04 : f32
      %mul3A_120 = vector.broadcast %mul3A_119 : f32 to vector<16xf32>
      %mul3A_121 = arith.mulf %add3A_118, %mul3A_120 : vector<16xf32>
      %convert_element_type3A_122 = arith.fptosi %mul3A_121 : vector<16xf32> to vector<16xi32>
      %mul3A_123 = arith.constant 3192 : i32
      %mul3A_124 = vector.broadcast %mul3A_123 : i32 to vector<16xi32>
      %mul3A_125 = arith.muli %convert_element_type3A_122, %mul3A_124 : vector<16xi32>
      %add3A_126 = arith.addi %get3A_115, %mul3A_125 : vector<16xi32>
      %mul3A_127 = arith.constant 16 : i32
      %mul3A_128 = arith.muli %scan3A_108, %mul3A_127 : i32
      %swap3A_129 = arith.constant 1 : i32
      %swap3A_130 = arith.index_cast %swap3A_129 : i32 to index
      %swap3A_131 = arith.index_cast %mul3A_128 : i32 to index
      %swap3A_132 = tpu.vector_load %arg4[%swap3A_130, %swap3A_131] {strides = array<i32>} : memref<4x128xi32, #tpu.memory_space<vmem>>, vector<1x16xi32>,
      %swap3A_133 = vector.shape_cast %swap3A_132 : vector<1x16xi32> to vector<16xi32>
      %swap3A_134 = vector.shape_cast %add3A_126 : vector<16xi32> to vector<1x16xi32>
      tpu.vector_store %arg4[%swap3A_130, %swap3A_131], %swap3A_134 {strides = array<i32>} : memref<4x128xi32, #tpu.memory_space<vmem>>, vector<1x16xi32>,
      %scan3A_135 = arith.constant 0 : i32
      scf.yield %scan3A_135 : i32
    }
    %scan3A_26 = arith.constant 8 : i32
    %scan3A_27 = arith.constant 0 : i32
    %scan3A_28 = arith.constant 0 : i32
    %scan3A_29 = arith.constant 8 : i32
    %scan3A_30 = arith.addi %scan3A_28, %scan3A_29 : i32
    %scan3A_31 = arith.constant 1 : i32
    %scan3A_32 = scf.for %scan3A_108 = %scan3A_28 to %scan3A_30 step %scan3A_31 iter_args(%scan3A_109 = %scan3A_27) -> (i32)  : i32 {
      %mul3A_110 = arith.constant 16 : i32
      %mul3A_111 = arith.muli %scan3A_108, %mul3A_110 : i32
      %get3A = arith.constant 2 : i32
      %get3A_112 = arith.index_cast %get3A : i32 to index
      %get3A_113 = arith.index_cast %mul3A_111 : i32 to index
      %get3A_114 = tpu.vector_load %arg4[%get3A_112, %get3A_113] {strides = array<i32>} : memref<4x128xi32, #tpu.memory_space<vmem>>, vector<1x16xi32>,
      %get3A_115 = vector.shape_cast %get3A_114 : vector<1x16xi32> to vector<16xi32>
      %convert_element_type3A = arith.sitofp %get3A_115 : vector<16xi32> to vector<16xf32>
      %add3A_116 = arith.constant 5.000000e-01 : f32
      %add3A_117 = vector.broadcast %add3A_116 : f32 to vector<16xf32>
      %add3A_118 = arith.addf %convert_element_type3A, %add3A_117 : vector<16xf32>
      %mul3A_119 = arith.constant 2.000000e-04 : f32
      %mul3A_120 = vector.broadcast %mul3A_119 : f32 to vector<16xf32>
      %mul3A_121 = arith.mulf %add3A_118, %mul3A_120 : vector<16xf32>
      %convert_element_type3A_122 = arith.fptosi %mul3A_121 : vector<16xf32> to vector<16xi32>
      %mul3A_123 = arith.constant 3192 : i32
      %mul3A_124 = vector.broadcast %mul3A_123 : i32 to vector<16xi32>
      %mul3A_125 = arith.muli %convert_element_type3A_122, %mul3A_124 : vector<16xi32>
      %add3A_126 = arith.addi %get3A_115, %mul3A_125 : vector<16xi32>
      %mul3A_127 = arith.constant 16 : i32
      %mul3A_128 = arith.muli %scan3A_108, %mul3A_127 : i32
      %swap3A_129 = arith.constant 2 : i32
      %swap3A_130 = arith.index_cast %swap3A_129 : i32 to index
      %swap3A_131 = arith.index_cast %mul3A_128 : i32 to index
      %swap3A_132 = tpu.vector_load %arg4[%swap3A_130, %swap3A_131] {strides = array<i32>} : memref<4x128xi32, #tpu.memory_space<vmem>>, vector<1x16xi32>,
      %swap3A_133 = vector.shape_cast %swap3A_132 : vector<1x16xi32> to vector<16xi32>
      %swap3A_134 = vector.shape_cast %add3A_126 : vector<16xi32> to vector<1x16xi32>
      tpu.vector_store %arg4[%swap3A_130, %swap3A_131], %swap3A_134 {strides = array<i32>} : memref<4x128xi32, #tpu.memory_space<vmem>>, vector<1x16xi32>,
      %scan3A_135 = arith.constant 0 : i32
      scf.yield %scan3A_135 : i32
    }
    %scan3A_33 = arith.constant 8 : i32
    %scan3A_34 = arith.constant 0 : i32
    %scan3A_35 = arith.constant 0 : i32
    %scan3A_36 = arith.constant 8 : i32
    %scan3A_37 = arith.addi %scan3A_35, %scan3A_36 : i32
    %scan3A_38 = arith.constant 1 : i32
    %scan3A_39 = scf.for %scan3A_108 = %scan3A_35 to %scan3A_37 step %scan3A_38 iter_args(%scan3A_109 = %scan3A_34) -> (i32)  : i32 {
      %mul3A_110 = arith.constant 16 : i32
      %mul3A_111 = arith.muli %scan3A_108, %mul3A_110 : i32
      %get3A = arith.constant 3 : i32
      %get3A_112 = arith.index_cast %get3A : i32 to index
      %get3A_113 = arith.index_cast %mul3A_111 : i32 to index
      %get3A_114 = tpu.vector_load %arg4[%get3A_112, %get3A_113] {strides = array<i32>} : memref<4x128xi32, #tpu.memory_space<vmem>>, vector<1x16xi32>,
      %get3A_115 = vector.shape_cast %get3A_114 : vector<1x16xi32> to vector<16xi32>
      %convert_element_type3A = arith.sitofp %get3A_115 : vector<16xi32> to vector<16xf32>
      %add3A_116 = arith.constant 5.000000e-01 : f32
      %add3A_117 = vector.broadcast %add3A_116 : f32 to vector<16xf32>
      %add3A_118 = arith.addf %convert_element_type3A, %add3A_117 : vector<16xf32>
      %mul3A_119 = arith.constant 2.000000e-04 : f32
      %mul3A_120 = vector.broadcast %mul3A_119 : f32 to vector<16xf32>
      %mul3A_121 = arith.mulf %add3A_118, %mul3A_120 : vector<16xf32>
      %convert_element_type3A_122 = arith.fptosi %mul3A_121 : vector<16xf32> to vector<16xi32>
      %mul3A_123 = arith.constant 3192 : i32
      %mul3A_124 = vector.broadcast %mul3A_123 : i32 to vector<16xi32>
      %mul3A_125 = arith.muli %convert_element_type3A_122, %mul3A_124 : vector<16xi32>
      %add3A_126 = arith.addi %get3A_115, %mul3A_125 : vector<16xi32>
      %mul3A_127 = arith.constant 16 : i32
      %mul3A_128 = arith.muli %scan3A_108, %mul3A_127 : i32
      %swap3A_129 = arith.constant 3 : i32
      %swap3A_130 = arith.index_cast %swap3A_129 : i32 to index
      %swap3A_131 = arith.index_cast %mul3A_128 : i32 to index
      %swap3A_132 = tpu.vector_load %arg4[%swap3A_130, %swap3A_131] {strides = array<i32>} : memref<4x128xi32, #tpu.memory_space<vmem>>, vector<1x16xi32>,
      %swap3A_133 = vector.shape_cast %swap3A_132 : vector<1x16xi32> to vector<16xi32>
      %swap3A_134 = vector.shape_cast %add3A_126 : vector<16xi32> to vector<1x16xi32>
      tpu.vector_store %arg4[%swap3A_130, %swap3A_131], %swap3A_134 {strides = array<i32>} : memref<4x128xi32, #tpu.memory_space<vmem>>, vector<1x16xi32>,
      %scan3A_135 = arith.constant 0 : i32
      scf.yield %scan3A_135 : i32
    }
    %scan3A_40 = arith.constant 8 : i32
    %broadcast_in_dim3A = arith.constant 1.000000e+00 : f32
    %broadcast_in_dim3A_41 = vector.broadcast %broadcast_in_dim3A : f32 to vector<16xf32>
    %swap3A = arith.constant 0 : index
    %swap3A_42 = tpu.vector_load %arg5[%swap3A] {strides = array<i32>} : memref<128xf32, #tpu.memory_space<vmem>>, vector<16xf32>,
    %swap3A_43 = vector.shape_cast %swap3A_42 : vector<16xf32> to vector<16xf32>
    %swap3A_44 = vector.shape_cast %broadcast_in_dim3A_41 : vector<16xf32> to vector<16xf32>
    tpu.vector_store %arg5[%swap3A], %swap3A_44 {strides = array<i32>} : memref<128xf32, #tpu.memory_space<vmem>>, vector<16xf32>,
    %broadcast_in_dim3A_45 = arith.constant 1.000000e+00 : f32
    %broadcast_in_dim3A_46 = vector.broadcast %broadcast_in_dim3A_45 : f32 to vector<16xf32>
    %swap3A_47 = arith.constant 16 : index
    %swap3A_48 = tpu.vector_load %arg5[%swap3A_47] {strides = array<i32>} : memref<128xf32, #tpu.memory_space<vmem>>, vector<16xf32>,
    %swap3A_49 = vector.shape_cast %swap3A_48 : vector<16xf32> to vector<16xf32>
    %swap3A_50 = vector.shape_cast %broadcast_in_dim3A_46 : vector<16xf32> to vector<16xf32>
    tpu.vector_store %arg5[%swap3A_47], %swap3A_50 {strides = array<i32>} : memref<128xf32, #tpu.memory_space<vmem>>, vector<16xf32>,
    %broadcast_in_dim3A_51 = arith.constant 1.000000e+00 : f32
    %broadcast_in_dim3A_52 = vector.broadcast %broadcast_in_dim3A_51 : f32 to vector<16xf32>
    %swap3A_53 = arith.constant 32 : index
    %swap3A_54 = tpu.vector_load %arg5[%swap3A_53] {strides = array<i32>} : memref<128xf32, #tpu.memory_space<vmem>>, vector<16xf32>,
    %swap3A_55 = vector.shape_cast %swap3A_54 : vector<16xf32> to vector<16xf32>
    %swap3A_56 = vector.shape_cast %broadcast_in_dim3A_52 : vector<16xf32> to vector<16xf32>
    tpu.vector_store %arg5[%swap3A_53], %swap3A_56 {strides = array<i32>} : memref<128xf32, #tpu.memory_space<vmem>>, vector<16xf32>,
    %broadcast_in_dim3A_57 = arith.constant 1.000000e+00 : f32
    %broadcast_in_dim3A_58 = vector.broadcast %broadcast_in_dim3A_57 : f32 to vector<16xf32>
    %swap3A_59 = arith.constant 48 : index
    %swap3A_60 = tpu.vector_load %arg5[%swap3A_59] {strides = array<i32>} : memref<128xf32, #tpu.memory_space<vmem>>, vector<16xf32>,
    %swap3A_61 = vector.shape_cast %swap3A_60 : vector<16xf32> to vector<16xf32>
    %swap3A_62 = vector.shape_cast %broadcast_in_dim3A_58 : vector<16xf32> to vector<16xf32>
    tpu.vector_store %arg5[%swap3A_59], %swap3A_62 {strides = array<i32>} : memref<128xf32, #tpu.memory_space<vmem>>, vector<16xf32>,
    %broadcast_in_dim3A_63 = arith.constant 1.000000e+00 : f32
    %broadcast_in_dim3A_64 = vector.broadcast %broadcast_in_dim3A_63 : f32 to vector<16xf32>
    %swap3A_65 = arith.constant 64 : index
    %swap3A_66 = tpu.vector_load %arg5[%swap3A_65] {strides = array<i32>} : memref<128xf32, #tpu.memory_space<vmem>>, vector<16xf32>,
    %swap3A_67 = vector.shape_cast %swap3A_66 : vector<16xf32> to vector<16xf32>
    %swap3A_68 = vector.shape_cast %broadcast_in_dim3A_64 : vector<16xf32> to vector<16xf32>
    tpu.vector_store %arg5[%swap3A_65], %swap3A_68 {strides = array<i32>} : memref<128xf32, #tpu.memory_space<vmem>>, vector<16xf32>,
    %broadcast_in_dim3A_69 = arith.constant 1.000000e+00 : f32
    %broadcast_in_dim3A_70 = vector.broadcast %broadcast_in_dim3A_69 : f32 to vector<16xf32>
    %swap3A_71 = arith.constant 80 : index
    %swap3A_72 = tpu.vector_load %arg5[%swap3A_71] {strides = array<i32>} : memref<128xf32, #tpu.memory_space<vmem>>, vector<16xf32>,
    %swap3A_73 = vector.shape_cast %swap3A_72 : vector<16xf32> to vector<16xf32>
    %swap3A_74 = vector.shape_cast %broadcast_in_dim3A_70 : vector<16xf32> to vector<16xf32>
    tpu.vector_store %arg5[%swap3A_71], %swap3A_74 {strides = array<i32>} : memref<128xf32, #tpu.memory_space<vmem>>, vector<16xf32>,
    %broadcast_in_dim3A_75 = arith.constant 1.000000e+00 : f32
    %broadcast_in_dim3A_76 = vector.broadcast %broadcast_in_dim3A_75 : f32 to vector<16xf32>
    %swap3A_77 = arith.constant 96 : index
    %swap3A_78 = tpu.vector_load %arg5[%swap3A_77] {strides = array<i32>} : memref<128xf32, #tpu.memory_space<vmem>>, vector<16xf32>,
    %swap3A_79 = vector.shape_cast %swap3A_78 : vector<16xf32> to vector<16xf32>
    %swap3A_80 = vector.shape_cast %broadcast_in_dim3A_76 : vector<16xf32> to vector<16xf32>
    tpu.vector_store %arg5[%swap3A_77], %swap3A_80 {strides = array<i32>} : memref<128xf32, #tpu.memory_space<vmem>>, vector<16xf32>,
    %broadcast_in_dim3A_81 = arith.constant 1.000000e+00 : f32
    %broadcast_in_dim3A_82 = vector.broadcast %broadcast_in_dim3A_81 : f32 to vector<16xf32>
    %swap3A_83 = arith.constant 112 : index
    %swap3A_84 = tpu.vector_load %arg5[%swap3A_83] {strides = array<i32>} : memref<128xf32, #tpu.memory_space<vmem>>, vector<16xf32>,
    %swap3A_85 = vector.shape_cast %swap3A_84 : vector<16xf32> to vector<16xf32>
    %swap3A_86 = vector.shape_cast %broadcast_in_dim3A_82 : vector<16xf32> to vector<16xf32>
    tpu.vector_store %arg5[%swap3A_83], %swap3A_86 {strides = array<i32>} : memref<128xf32, #tpu.memory_space<vmem>>, vector<16xf32>,
    %scan3A_87 = arith.constant 0 : i32
    %scan3A_88 = arith.constant 0 : i32
    %scan3A_89 = arith.constant 80 : i32
    %scan3A_90 = arith.addi %scan3A_88, %scan3A_89 : i32
    %scan3A_91 = arith.constant 1 : i32
    %scan3A_92 = scf.for %scan3A_108 = %scan3A_88 to %scan3A_90 step %scan3A_91 iter_args(%scan3A_109 = %scan3A_87) -> (i32)  : i32 {
      %broadcast_in_dim3A_110 = arith.constant 0.000000e+00 : f32
      %broadcast_in_dim3A_111 = vector.broadcast %broadcast_in_dim3A_110 : f32 to vector<16xf32>
      %mul3A_112 = arith.constant 8 : i32
      %mul3A_113 = arith.muli %scan3A_108, %mul3A_112 : i32
      %add3A_114 = arith.constant 0 : i32
      %add3A_115 = arith.addi %mul3A_113, %add3A_114 : i32
      %mul3A_116 = arith.constant 16 : i32
      %mul3A_117 = arith.muli %add3A_115, %mul3A_116 : i32
      %swap3A_118 = arith.index_cast %mul3A_117 : i32 to index
      %swap3A_119 = tpu.vector_load %arg6[%swap3A_118] {strides = array<i32>} : memref<10240xf32, #tpu.memory_space<vmem>>, vector<16xf32>,
      %swap3A_120 = vector.shape_cast %swap3A_119 : vector<16xf32> to vector<16xf32>
      %swap3A_121 = vector.shape_cast %broadcast_in_dim3A_111 : vector<16xf32> to vector<16xf32>
      tpu.vector_store %arg6[%swap3A_118], %swap3A_121 {strides = array<i32>} : memref<10240xf32, #tpu.memory_space<vmem>>, vector<16xf32>,
      %broadcast_in_dim3A_122 = arith.constant 0.000000e+00 : f32
      %broadcast_in_dim3A_123 = vector.broadcast %broadcast_in_dim3A_122 : f32 to vector<16xf32>
      %mul3A_124 = arith.constant 8 : i32
      %mul3A_125 = arith.muli %scan3A_108, %mul3A_124 : i32
      %add3A_126 = arith.constant 1 : i32
      %add3A_127 = arith.addi %mul3A_125, %add3A_126 : i32
      %mul3A_128 = arith.constant 16 : i32
      %mul3A_129 = arith.muli %add3A_127, %mul3A_128 : i32
      %swap3A_130 = arith.index_cast %mul3A_129 : i32 to index
      %swap3A_131 = tpu.vector_load %arg6[%swap3A_130] {strides = array<i32>} : memref<10240xf32, #tpu.memory_space<vmem>>, vector<16xf32>,
      %swap3A_132 = vector.shape_cast %swap3A_131 : vector<16xf32> to vector<16xf32>
      %swap3A_133 = vector.shape_cast %broadcast_in_dim3A_123 : vector<16xf32> to vector<16xf32>
      tpu.vector_store %arg6[%swap3A_130], %swap3A_133 {strides = array<i32>} : memref<10240xf32, #tpu.memory_space<vmem>>, vector<16xf32>,
      %broadcast_in_dim3A_134 = arith.constant 0.000000e+00 : f32
      %broadcast_in_dim3A_135 = vector.broadcast %broadcast_in_dim3A_134 : f32 to vector<16xf32>
      %mul3A_136 = arith.constant 8 : i32
      %mul3A_137 = arith.muli %scan3A_108, %mul3A_136 : i32
      %add3A_138 = arith.constant 2 : i32
      %add3A_139 = arith.addi %mul3A_137, %add3A_138 : i32
      %mul3A_140 = arith.constant 16 : i32
      %mul3A_141 = arith.muli %add3A_139, %mul3A_140 : i32
      %swap3A_142 = arith.index_cast %mul3A_141 : i32 to index
      %swap3A_143 = tpu.vector_load %arg6[%swap3A_142] {strides = array<i32>} : memref<10240xf32, #tpu.memory_space<vmem>>, vector<16xf32>,
      %swap3A_144 = vector.shape_cast %swap3A_143 : vector<16xf32> to vector<16xf32>
      %swap3A_145 = vector.shape_cast %broadcast_in_dim3A_135 : vector<16xf32> to vector<16xf32>
      tpu.vector_store %arg6[%swap3A_142], %swap3A_145 {strides = array<i32>} : memref<10240xf32, #tpu.memory_space<vmem>>, vector<16xf32>,
      %broadcast_in_dim3A_146 = arith.constant 0.000000e+00 : f32
      %broadcast_in_dim3A_147 = vector.broadcast %broadcast_in_dim3A_146 : f32 to vector<16xf32>
      %mul3A_148 = arith.constant 8 : i32
      %mul3A_149 = arith.muli %scan3A_108, %mul3A_148 : i32
      %add3A_150 = arith.constant 3 : i32
      %add3A_151 = arith.addi %mul3A_149, %add3A_150 : i32
      %mul3A_152 = arith.constant 16 : i32
      %mul3A_153 = arith.muli %add3A_151, %mul3A_152 : i32
      %swap3A_154 = arith.index_cast %mul3A_153 : i32 to index
      %swap3A_155 = tpu.vector_load %arg6[%swap3A_154] {strides = array<i32>} : memref<10240xf32, #tpu.memory_space<vmem>>, vector<16xf32>,
      %swap3A_156 = vector.shape_cast %swap3A_155 : vector<16xf32> to vector<16xf32>
      %swap3A_157 = vector.shape_cast %broadcast_in_dim3A_147 : vector<16xf32> to vector<16xf32>
      tpu.vector_store %arg6[%swap3A_154], %swap3A_157 {strides = array<i32>} : memref<10240xf32, #tpu.memory_space<vmem>>, vector<16xf32>,
      %broadcast_in_dim3A_158 = arith.constant 0.000000e+00 : f32
      %broadcast_in_dim3A_159 = vector.broadcast %broadcast_in_dim3A_158 : f32 to vector<16xf32>
      %mul3A_160 = arith.constant 8 : i32
      %mul3A_161 = arith.muli %scan3A_108, %mul3A_160 : i32
      %add3A_162 = arith.constant 4 : i32
      %add3A_163 = arith.addi %mul3A_161, %add3A_162 : i32
      %mul3A_164 = arith.constant 16 : i32
      %mul3A_165 = arith.muli %add3A_163, %mul3A_164 : i32
      %swap3A_166 = arith.index_cast %mul3A_165 : i32 to index
      %swap3A_167 = tpu.vector_load %arg6[%swap3A_166] {strides = array<i32>} : memref<10240xf32, #tpu.memory_space<vmem>>, vector<16xf32>,
      %swap3A_168 = vector.shape_cast %swap3A_167 : vector<16xf32> to vector<16xf32>
      %swap3A_169 = vector.shape_cast %broadcast_in_dim3A_159 : vector<16xf32> to vector<16xf32>
      tpu.vector_store %arg6[%swap3A_166], %swap3A_169 {strides = array<i32>} : memref<10240xf32, #tpu.memory_space<vmem>>, vector<16xf32>,
      %broadcast_in_dim3A_170 = arith.constant 0.000000e+00 : f32
      %broadcast_in_dim3A_171 = vector.broadcast %broadcast_in_dim3A_170 : f32 to vector<16xf32>
      %mul3A_172 = arith.constant 8 : i32
      %mul3A_173 = arith.muli %scan3A_108, %mul3A_172 : i32
      %add3A_174 = arith.constant 5 : i32
      %add3A_175 = arith.addi %mul3A_173, %add3A_174 : i32
      %mul3A_176 = arith.constant 16 : i32
      %mul3A_177 = arith.muli %add3A_175, %mul3A_176 : i32
      %swap3A_178 = arith.index_cast %mul3A_177 : i32 to index
      %swap3A_179 = tpu.vector_load %arg6[%swap3A_178] {strides = array<i32>} : memref<10240xf32, #tpu.memory_space<vmem>>, vector<16xf32>,
      %swap3A_180 = vector.shape_cast %swap3A_179 : vector<16xf32> to vector<16xf32>
      %swap3A_181 = vector.shape_cast %broadcast_in_dim3A_171 : vector<16xf32> to vector<16xf32>
      tpu.vector_store %arg6[%swap3A_178], %swap3A_181 {strides = array<i32>} : memref<10240xf32, #tpu.memory_space<vmem>>, vector<16xf32>,
      %broadcast_in_dim3A_182 = arith.constant 0.000000e+00 : f32
      %broadcast_in_dim3A_183 = vector.broadcast %broadcast_in_dim3A_182 : f32 to vector<16xf32>
      %mul3A_184 = arith.constant 8 : i32
      %mul3A_185 = arith.muli %scan3A_108, %mul3A_184 : i32
      %add3A_186 = arith.constant 6 : i32
      %add3A_187 = arith.addi %mul3A_185, %add3A_186 : i32
      %mul3A_188 = arith.constant 16 : i32
      %mul3A_189 = arith.muli %add3A_187, %mul3A_188 : i32
      %swap3A_190 = arith.index_cast %mul3A_189 : i32 to index
      %swap3A_191 = tpu.vector_load %arg6[%swap3A_190] {strides = array<i32>} : memref<10240xf32, #tpu.memory_space<vmem>>, vector<16xf32>,
      %swap3A_192 = vector.shape_cast %swap3A_191 : vector<16xf32> to vector<16xf32>
      %swap3A_193 = vector.shape_cast %broadcast_in_dim3A_183 : vector<16xf32> to vector<16xf32>
      tpu.vector_store %arg6[%swap3A_190], %swap3A_193 {strides = array<i32>} : memref<10240xf32, #tpu.memory_space<vmem>>, vector<16xf32>,
      %broadcast_in_dim3A_194 = arith.constant 0.000000e+00 : f32
      %broadcast_in_dim3A_195 = vector.broadcast %broadcast_in_dim3A_194 : f32 to vector<16xf32>
      %mul3A_196 = arith.constant 8 : i32
      %mul3A_197 = arith.muli %scan3A_108, %mul3A_196 : i32
      %add3A_198 = arith.constant 7 : i32
      %add3A_199 = arith.addi %mul3A_197, %add3A_198 : i32
      %mul3A_200 = arith.constant 16 : i32
      %mul3A_201 = arith.muli %add3A_199, %mul3A_200 : i32
      %swap3A_202 = arith.index_cast %mul3A_201 : i32 to index
      %swap3A_203 = tpu.vector_load %arg6[%swap3A_202] {strides = array<i32>} : memref<10240xf32, #tpu.memory_space<vmem>>, vector<16xf32>,
      %swap3A_204 = vector.shape_cast %swap3A_203 : vector<16xf32> to vector<16xf32>
      %swap3A_205 = vector.shape_cast %broadcast_in_dim3A_195 : vector<16xf32> to vector<16xf32>
      tpu.vector_store %arg6[%swap3A_202], %swap3A_205 {strides = array<i32>} : memref<10240xf32, #tpu.memory_space<vmem>>, vector<16xf32>,
      %scan3A_206 = arith.constant 0 : i32
      scf.yield %scan3A_206 : i32
    }
    %scan3A_93 = arith.constant 80 : i32
    %mul3A_94 = arith.constant 10240 : i32
    %mul3A_95 = arith.muli %arg1, %mul3A_94 : i32
    "tpu.region"() ({
      %run_scoped3A_108 = tpu.sem_alloc : memref<!tpu.dma_semaphore, #tpu.memory_space<semaphore_mem>>
      %dma_start3A = tpu.memref_slice %arg7[%mul3A_95] : memref<163840xf32, #tpu.memory_space<vmem_shared>> -> memref<10240xf32, #tpu.memory_space<vmem_shared>>
      %dma_start3A_109 = tpu.memref_slice %arg7[%mul3A_95] : memref<163840xf32, #tpu.memory_space<vmem_shared>> -> memref<10240xf32, #tpu.memory_space<vmem_shared>>
      tpu.enqueue_dma source(%arg6 : memref<10240xf32, #tpu.memory_space<vmem>>) target(%dma_start3A_109 : memref<10240xf32, #tpu.memory_space<vmem_shared>>) target_semaphore(%run_scoped3A_108 : memref<!tpu.dma_semaphore, #tpu.memory_space<semaphore_mem>>)
      %dma_wait3A = tpu.memref_slice %arg7[%mul3A_95] : memref<163840xf32, #tpu.memory_space<vmem_shared>> -> memref<10240xf32, #tpu.memory_space<vmem_shared>>
      %dma_wait3A_110 = tpu.memref_slice %arg7[%mul3A_95] : memref<163840xf32, #tpu.memory_space<vmem_shared>> -> memref<10240xf32, #tpu.memory_space<vmem_shared>>
      tpu.wait_dma2 semaphore(%run_scoped3A_108 : memref<!tpu.dma_semaphore, #tpu.memory_space<semaphore_mem>>) src(%arg6 : memref<10240xf32, #tpu.memory_space<vmem>>) dst(%dma_wait3A_110 : memref<10240xf32, #tpu.memory_space<vmem_shared>>)
      tpu.yield
    }) : () -> ()
    %barrier3A = arith.constant 0 : index
    tpu.barrier barrier_id(%barrier3A)
    %run_scoped3A_96 = arith.constant 0 : i32
    "tpu.region"() ({
      %run_scoped3A_108 = tpu.sem_alloc : memref<!tpu.dma_semaphore, #tpu.memory_space<semaphore_mem>>
      %dma_start3A = arith.constant 0 : i32
      %dma_start3A_109 = tpu.memref_slice %arg4[%run_scoped3A_96, %dma_start3A] : memref<4x128xi32, #tpu.memory_space<vmem>> -> memref<1x128xi32, #tpu.memory_space<vmem>>
      %dma_start3A_110 = tpu.memref_squeeze %dma_start3A_109 : memref<1x128xi32, #tpu.memory_space<vmem>> -> memref<128xi32, #tpu.memory_space<vmem>>
      %dma_start3A_111 = arith.constant 0 : i32
      %dma_start3A_112 = tpu.memref_slice %arg7[%dma_start3A_111] : memref<163840xf32, #tpu.memory_space<vmem_shared>> -> memref<163840xf32, #tpu.memory_space<vmem_shared>>
      tpu.enqueue_indirect_dma source(%arg5 : memref<128xf32, #tpu.memory_space<vmem>>) target(%dma_start3A_112 : memref<163840xf32, #tpu.memory_space<vmem_shared>>) offsets(%dma_start3A_110 : memref<128xi32, #tpu.memory_space<vmem>>) semaphore(%run_scoped3A_108 : memref<!tpu.dma_semaphore, #tpu.memory_space<semaphore_mem>>) {add = true}
      %dma_wait3A = arith.constant 0 : i32
      %dma_wait3A_113 = tpu.memref_slice %arg4[%run_scoped3A_96, %dma_wait3A] : memref<4x128xi32, #tpu.memory_space<vmem>> -> memref<1x128xi32, #tpu.memory_space<vmem>>
      %dma_wait3A_114 = tpu.memref_squeeze %dma_wait3A_113 : memref<1x128xi32, #tpu.memory_space<vmem>> -> memref<128xi32, #tpu.memory_space<vmem>>
      %dma_wait3A_115 = arith.constant 0 : i32
      %dma_wait3A_116 = tpu.memref_slice %arg7[%dma_wait3A_115] : memref<163840xf32, #tpu.memory_space<vmem_shared>> -> memref<163840xf32, #tpu.memory_space<vmem_shared>>
      tpu.wait_indirect_dma semaphore(%run_scoped3A_108 : memref<!tpu.dma_semaphore, #tpu.memory_space<semaphore_mem>>) src(%arg5 : memref<128xf32, #tpu.memory_space<vmem>>) dst(%dma_wait3A_116 : memref<163840xf32, #tpu.memory_space<vmem_shared>>)
      tpu.yield
    }) : () -> ()
    %run_scoped3A_97 = arith.constant 1 : i32
    "tpu.region"() ({
      %run_scoped3A_108 = tpu.sem_alloc : memref<!tpu.dma_semaphore, #tpu.memory_space<semaphore_mem>>
      %dma_start3A = arith.constant 0 : i32
      %dma_start3A_109 = tpu.memref_slice %arg4[%run_scoped3A_97, %dma_start3A] : memref<4x128xi32, #tpu.memory_space<vmem>> -> memref<1x128xi32, #tpu.memory_space<vmem>>
      %dma_start3A_110 = tpu.memref_squeeze %dma_start3A_109 : memref<1x128xi32, #tpu.memory_space<vmem>> -> memref<128xi32, #tpu.memory_space<vmem>>
      %dma_start3A_111 = arith.constant 0 : i32
      %dma_start3A_112 = tpu.memref_slice %arg7[%dma_start3A_111] : memref<163840xf32, #tpu.memory_space<vmem_shared>> -> memref<163840xf32, #tpu.memory_space<vmem_shared>>
      tpu.enqueue_indirect_dma source(%arg5 : memref<128xf32, #tpu.memory_space<vmem>>) target(%dma_start3A_112 : memref<163840xf32, #tpu.memory_space<vmem_shared>>) offsets(%dma_start3A_110 : memref<128xi32, #tpu.memory_space<vmem>>) semaphore(%run_scoped3A_108 : memref<!tpu.dma_semaphore, #tpu.memory_space<semaphore_mem>>) {add = true}
      %dma_wait3A = arith.constant 0 : i32
      %dma_wait3A_113 = tpu.memref_slice %arg4[%run_scoped3A_97, %dma_wait3A] : memref<4x128xi32, #tpu.memory_space<vmem>> -> memref<1x128xi32, #tpu.memory_space<vmem>>
      %dma_wait3A_114 = tpu.memref_squeeze %dma_wait3A_113 : memref<1x128xi32, #tpu.memory_space<vmem>> -> memref<128xi32, #tpu.memory_space<vmem>>
      %dma_wait3A_115 = arith.constant 0 : i32
      %dma_wait3A_116 = tpu.memref_slice %arg7[%dma_wait3A_115] : memref<163840xf32, #tpu.memory_space<vmem_shared>> -> memref<163840xf32, #tpu.memory_space<vmem_shared>>
      tpu.wait_indirect_dma semaphore(%run_scoped3A_108 : memref<!tpu.dma_semaphore, #tpu.memory_space<semaphore_mem>>) src(%arg5 : memref<128xf32, #tpu.memory_space<vmem>>) dst(%dma_wait3A_116 : memref<163840xf32, #tpu.memory_space<vmem_shared>>)
      tpu.yield
    }) : () -> ()
    %run_scoped3A_98 = arith.constant 2 : i32
    "tpu.region"() ({
      %run_scoped3A_108 = tpu.sem_alloc : memref<!tpu.dma_semaphore, #tpu.memory_space<semaphore_mem>>
      %dma_start3A = arith.constant 0 : i32
      %dma_start3A_109 = tpu.memref_slice %arg4[%run_scoped3A_98, %dma_start3A] : memref<4x128xi32, #tpu.memory_space<vmem>> -> memref<1x128xi32, #tpu.memory_space<vmem>>
      %dma_start3A_110 = tpu.memref_squeeze %dma_start3A_109 : memref<1x128xi32, #tpu.memory_space<vmem>> -> memref<128xi32, #tpu.memory_space<vmem>>
      %dma_start3A_111 = arith.constant 0 : i32
      %dma_start3A_112 = tpu.memref_slice %arg7[%dma_start3A_111] : memref<163840xf32, #tpu.memory_space<vmem_shared>> -> memref<163840xf32, #tpu.memory_space<vmem_shared>>
      tpu.enqueue_indirect_dma source(%arg5 : memref<128xf32, #tpu.memory_space<vmem>>) target(%dma_start3A_112 : memref<163840xf32, #tpu.memory_space<vmem_shared>>) offsets(%dma_start3A_110 : memref<128xi32, #tpu.memory_space<vmem>>) semaphore(%run_scoped3A_108 : memref<!tpu.dma_semaphore, #tpu.memory_space<semaphore_mem>>) {add = true}
      %dma_wait3A = arith.constant 0 : i32
      %dma_wait3A_113 = tpu.memref_slice %arg4[%run_scoped3A_98, %dma_wait3A] : memref<4x128xi32, #tpu.memory_space<vmem>> -> memref<1x128xi32, #tpu.memory_space<vmem>>
      %dma_wait3A_114 = tpu.memref_squeeze %dma_wait3A_113 : memref<1x128xi32, #tpu.memory_space<vmem>> -> memref<128xi32, #tpu.memory_space<vmem>>
      %dma_wait3A_115 = arith.constant 0 : i32
      %dma_wait3A_116 = tpu.memref_slice %arg7[%dma_wait3A_115] : memref<163840xf32, #tpu.memory_space<vmem_shared>> -> memref<163840xf32, #tpu.memory_space<vmem_shared>>
      tpu.wait_indirect_dma semaphore(%run_scoped3A_108 : memref<!tpu.dma_semaphore, #tpu.memory_space<semaphore_mem>>) src(%arg5 : memref<128xf32, #tpu.memory_space<vmem>>) dst(%dma_wait3A_116 : memref<163840xf32, #tpu.memory_space<vmem_shared>>)
      tpu.yield
    }) : () -> ()
    %run_scoped3A_99 = arith.constant 3 : i32
    "tpu.region"() ({
      %run_scoped3A_108 = tpu.sem_alloc : memref<!tpu.dma_semaphore, #tpu.memory_space<semaphore_mem>>
      %dma_start3A = arith.constant 0 : i32
      %dma_start3A_109 = tpu.memref_slice %arg4[%run_scoped3A_99, %dma_start3A] : memref<4x128xi32, #tpu.memory_space<vmem>> -> memref<1x128xi32, #tpu.memory_space<vmem>>
      %dma_start3A_110 = tpu.memref_squeeze %dma_start3A_109 : memref<1x128xi32, #tpu.memory_space<vmem>> -> memref<128xi32, #tpu.memory_space<vmem>>
      %dma_start3A_111 = arith.constant 0 : i32
      %dma_start3A_112 = tpu.memref_slice %arg7[%dma_start3A_111] : memref<163840xf32, #tpu.memory_space<vmem_shared>> -> memref<163840xf32, #tpu.memory_space<vmem_shared>>
      tpu.enqueue_indirect_dma source(%arg5 : memref<128xf32, #tpu.memory_space<vmem>>) target(%dma_start3A_112 : memref<163840xf32, #tpu.memory_space<vmem_shared>>) offsets(%dma_start3A_110 : memref<128xi32, #tpu.memory_space<vmem>>) semaphore(%run_scoped3A_108 : memref<!tpu.dma_semaphore, #tpu.memory_space<semaphore_mem>>) {add = true}
      %dma_wait3A = arith.constant 0 : i32
      %dma_wait3A_113 = tpu.memref_slice %arg4[%run_scoped3A_99, %dma_wait3A] : memref<4x128xi32, #tpu.memory_space<vmem>> -> memref<1x128xi32, #tpu.memory_space<vmem>>
      %dma_wait3A_114 = tpu.memref_squeeze %dma_wait3A_113 : memref<1x128xi32, #tpu.memory_space<vmem>> -> memref<128xi32, #tpu.memory_space<vmem>>
      %dma_wait3A_115 = arith.constant 0 : i32
      %dma_wait3A_116 = tpu.memref_slice %arg7[%dma_wait3A_115] : memref<163840xf32, #tpu.memory_space<vmem_shared>> -> memref<163840xf32, #tpu.memory_space<vmem_shared>>
      tpu.wait_indirect_dma semaphore(%run_scoped3A_108 : memref<!tpu.dma_semaphore, #tpu.memory_space<semaphore_mem>>) src(%arg5 : memref<128xf32, #tpu.memory_space<vmem>>) dst(%dma_wait3A_116 : memref<163840xf32, #tpu.memory_space<vmem_shared>>)
      tpu.yield
    }) : () -> ()
    %barrier3A_100 = arith.constant 0 : index
    tpu.barrier barrier_id(%barrier3A_100)
    %mul3A_101 = arith.constant 10240 : i32
    %mul3A_102 = arith.muli %arg1, %mul3A_101 : i32
    %mul3A_103 = arith.constant 163840 : i32
    %mul3A_104 = arith.muli %arg0, %mul3A_103 : i32
    %mul3A_105 = arith.constant 10240 : i32
    %mul3A_106 = arith.muli %arg1, %mul3A_105 : i32
    %add3A_107 = arith.addi %mul3A_104, %mul3A_106 : i32
    "tpu.region"() ({
      %run_scoped3A_108 = tpu.sem_alloc : memref<!tpu.dma_semaphore, #tpu.memory_space<semaphore_mem>>
      %dma_start3A = tpu.memref_slice %arg3[%add3A_107] : memref<327680xf32, #tpu.memory_space<hbm>> -> memref<10240xf32, #tpu.memory_space<hbm>>
      %dma_start3A_109 = tpu.memref_slice %arg7[%mul3A_102] : memref<163840xf32, #tpu.memory_space<vmem_shared>> -> memref<10240xf32, #tpu.memory_space<vmem_shared>>
      tpu.enqueue_dma source(%dma_start3A_109 : memref<10240xf32, #tpu.memory_space<vmem_shared>>) target(%dma_start3A : memref<10240xf32, #tpu.memory_space<hbm>>) target_semaphore(%run_scoped3A_108 : memref<!tpu.dma_semaphore, #tpu.memory_space<semaphore_mem>>)
      %dma_wait3A = tpu.memref_slice %arg3[%add3A_107] : memref<327680xf32, #tpu.memory_space<hbm>> -> memref<10240xf32, #tpu.memory_space<hbm>>
      %dma_wait3A_110 = tpu.memref_slice %arg7[%mul3A_102] : memref<163840xf32, #tpu.memory_space<vmem_shared>> -> memref<10240xf32, #tpu.memory_space<vmem_shared>>
      tpu.wait_dma2 semaphore(%run_scoped3A_108 : memref<!tpu.dma_semaphore, #tpu.memory_space<semaphore_mem>>) src(%dma_wait3A_110 : memref<10240xf32, #tpu.memory_space<vmem_shared>>) dst(%dma_wait3A : memref<10240xf32, #tpu.memory_space<hbm>>)
      tpu.yield
    }) : () -> ()
    return
  }
}

module attributes {stable_mosaic.version = 14 : i64} {
  func.func @body(%arg0: i32, %arg1: memref<8192xf32, #tpu.memory_space<vmem>>, %arg2: memref<8192xf32, #tpu.memory_space<vmem>>, %arg3: memref<8192xf32, #tpu.memory_space<vmem>>, %arg4: memref<8192xf32, #tpu.memory_space<vmem>>, %arg5: memref<8192xf32, #tpu.memory_space<vmem>>, %arg6: memref<8192xf32, #tpu.memory_space<vmem>>, %arg7: memref<8192xf32, #tpu.memory_space<vmem>>, %arg8: memref<8192xf32, #tpu.memory_space<vmem>>, %arg9: memref<5000x64xf32, #tpu.memory_space<vmem>>, %arg10: memref<5000x64xf32, #tpu.memory_space<vmem>>, %arg11: memref<5000x64xf32, #tpu.memory_space<vmem>>, %arg12: memref<5000x64xf32, #tpu.memory_space<vmem>>, %arg13: memref<64x64xf32, #tpu.memory_space<vmem>>, %arg14: memref<1x64xf32, #tpu.memory_space<vmem>>, %arg15: memref<1x64xf32, #tpu.memory_space<vmem>>, %arg16: memref<1x64xf32, #tpu.memory_space<vmem>>) attributes {dimension_semantics = [#tpu.dimension_semantics<arbitrary>], iteration_bounds = array<i64: 5>, scalar_prefetch = 0 : i64, scratch_operands = 1 : i64, tpu.core_type = #tpu.core_type<tc>, window_params = [{transform_indices = @transform_0, window_bounds = array<i64: 8192>}, {transform_indices = @transform_1, window_bounds = array<i64: 8192>}, {transform_indices = @transform_2, window_bounds = array<i64: 8192>}, {transform_indices = @transform_3, window_bounds = array<i64: 8192>}, {transform_indices = @transform_4, window_bounds = array<i64: 8192>}, {transform_indices = @transform_5, window_bounds = array<i64: 8192>}, {transform_indices = @transform_6, window_bounds = array<i64: 8192>}, {transform_indices = @transform_7, window_bounds = array<i64: 8192>}, {transform_indices = @transform_8, window_bounds = array<i64: 5000, 64>}, {transform_indices = @transform_9, window_bounds = array<i64: 5000, 64>}, {transform_indices = @transform_10, window_bounds = array<i64: 5000, 64>}, {transform_indices = @transform_11, window_bounds = array<i64: 5000, 64>}, {pipeline_mode = #tpu.pipeline_mode<synchronous>, transform_indices = @transform_12, window_bounds = array<i64: 64, 64>}, {pipeline_mode = #tpu.pipeline_mode<synchronous>, transform_indices = @transform_13, window_bounds = array<i64: 1, 64>}, {pipeline_mode = #tpu.pipeline_mode<synchronous>, transform_indices = @transform_14, window_bounds = array<i64: 1, 64>}]} {
    %eq3A = arith.constant 0 : i32
    %eq3A_0 = arith.cmpi eq, %arg0, %eq3A : i32
    %convert_element_type3A = arith.extui %eq3A_0 : i1 to i32
    %cond3A = arith.constant 0 : i32
    %cond3A_1 = arith.cmpi ne, %convert_element_type3A, %cond3A : i32
    scf.if %cond3A_1 {
      %broadcast_in_dim3A_70 = arith.constant 0.000000e+00 : f32
      %broadcast_in_dim3A_71 = vector.broadcast %broadcast_in_dim3A_70 : f32 to vector<1x64xf32>
      %swap3A_72 = arith.constant 0 : index
      %swap3A_73 = arith.constant 0 : index
      %swap3A_74 = vector.load %arg16[%swap3A_72, %swap3A_73] : memref<1x64xf32, #tpu.memory_space<vmem>>, vector<1x64xf32>
      tpu.vector_store %arg16[%swap3A_72, %swap3A_73], %broadcast_in_dim3A_71 {strides = array<i32>} : memref<1x64xf32, #tpu.memory_space<vmem>>, vector<1x64xf32>,
    } else {
    }
    %get3A = arith.constant 0 : index
    %get3A_2 = vector.load %arg1[%get3A] : memref<8192xf32, #tpu.memory_space<vmem>>, vector<8192xf32>
    %get3A_3 = arith.constant 0 : index
    %get3A_4 = vector.load %arg2[%get3A_3] : memref<8192xf32, #tpu.memory_space<vmem>>, vector<8192xf32>
    %add3A = arith.addf %get3A_2, %get3A_4 : vector<8192xf32>
    %slice3A = vector.extract_strided_slice %add3A {offsets = [0], sizes = [5000], strides = [1]} : vector<8192xf32> to vector<5000xf32>
    %get3A_5 = arith.constant 0 : index
    %get3A_6 = arith.constant 0 : index
    %get3A_7 = vector.load %arg9[%get3A_5, %get3A_6] : memref<5000x64xf32, #tpu.memory_space<vmem>>, vector<5000x64xf32>
    %broadcast_in_dim3A = vector.shape_cast %slice3A : vector<5000xf32> to vector<5000x1xf32>
    %mul3A = vector.broadcast %broadcast_in_dim3A : vector<5000x1xf32> to vector<5000x64xf32>
    %mul3A_8 = arith.mulf %get3A_7, %mul3A : vector<5000x64xf32>
    %reduce_sum3A = arith.constant dense<0.000000e+00> : vector<64xf32>
    %reduce_sum3A_9 = vector.multi_reduction <add>, %mul3A_8, %reduce_sum3A [0] : vector<5000x64xf32> to vector<64xf32>
    %broadcast_in_dim3A_10 = vector.shape_cast %reduce_sum3A_9 : vector<64xf32> to vector<1x64xf32>
    %get3A_11 = arith.constant 0 : index
    %get3A_12 = vector.load %arg3[%get3A_11] : memref<8192xf32, #tpu.memory_space<vmem>>, vector<8192xf32>
    %get3A_13 = arith.constant 0 : index
    %get3A_14 = vector.load %arg4[%get3A_13] : memref<8192xf32, #tpu.memory_space<vmem>>, vector<8192xf32>
    %add3A_15 = arith.addf %get3A_12, %get3A_14 : vector<8192xf32>
    %slice3A_16 = vector.extract_strided_slice %add3A_15 {offsets = [0], sizes = [5000], strides = [1]} : vector<8192xf32> to vector<5000xf32>
    %get3A_17 = arith.constant 0 : index
    %get3A_18 = arith.constant 0 : index
    %get3A_19 = vector.load %arg10[%get3A_17, %get3A_18] : memref<5000x64xf32, #tpu.memory_space<vmem>>, vector<5000x64xf32>
    %broadcast_in_dim3A_20 = vector.shape_cast %slice3A_16 : vector<5000xf32> to vector<5000x1xf32>
    %mul3A_21 = vector.broadcast %broadcast_in_dim3A_20 : vector<5000x1xf32> to vector<5000x64xf32>
    %mul3A_22 = arith.mulf %get3A_19, %mul3A_21 : vector<5000x64xf32>
    %reduce_sum3A_23 = arith.constant dense<0.000000e+00> : vector<64xf32>
    %reduce_sum3A_24 = vector.multi_reduction <add>, %mul3A_22, %reduce_sum3A_23 [0] : vector<5000x64xf32> to vector<64xf32>
    %broadcast_in_dim3A_25 = vector.shape_cast %reduce_sum3A_24 : vector<64xf32> to vector<1x64xf32>
    %add3A_26 = arith.addf %broadcast_in_dim3A_10, %broadcast_in_dim3A_25 : vector<1x64xf32>
    %get3A_27 = arith.constant 0 : index
    %get3A_28 = vector.load %arg5[%get3A_27] : memref<8192xf32, #tpu.memory_space<vmem>>, vector<8192xf32>
    %get3A_29 = arith.constant 0 : index
    %get3A_30 = vector.load %arg6[%get3A_29] : memref<8192xf32, #tpu.memory_space<vmem>>, vector<8192xf32>
    %add3A_31 = arith.addf %get3A_28, %get3A_30 : vector<8192xf32>
    %slice3A_32 = vector.extract_strided_slice %add3A_31 {offsets = [0], sizes = [5000], strides = [1]} : vector<8192xf32> to vector<5000xf32>
    %get3A_33 = arith.constant 0 : index
    %get3A_34 = arith.constant 0 : index
    %get3A_35 = vector.load %arg11[%get3A_33, %get3A_34] : memref<5000x64xf32, #tpu.memory_space<vmem>>, vector<5000x64xf32>
    %broadcast_in_dim3A_36 = vector.shape_cast %slice3A_32 : vector<5000xf32> to vector<5000x1xf32>
    %mul3A_37 = vector.broadcast %broadcast_in_dim3A_36 : vector<5000x1xf32> to vector<5000x64xf32>
    %mul3A_38 = arith.mulf %get3A_35, %mul3A_37 : vector<5000x64xf32>
    %reduce_sum3A_39 = arith.constant dense<0.000000e+00> : vector<64xf32>
    %reduce_sum3A_40 = vector.multi_reduction <add>, %mul3A_38, %reduce_sum3A_39 [0] : vector<5000x64xf32> to vector<64xf32>
    %broadcast_in_dim3A_41 = vector.shape_cast %reduce_sum3A_40 : vector<64xf32> to vector<1x64xf32>
    %add3A_42 = arith.addf %add3A_26, %broadcast_in_dim3A_41 : vector<1x64xf32>
    %get3A_43 = arith.constant 0 : index
    %get3A_44 = vector.load %arg7[%get3A_43] : memref<8192xf32, #tpu.memory_space<vmem>>, vector<8192xf32>
    %get3A_45 = arith.constant 0 : index
    %get3A_46 = vector.load %arg8[%get3A_45] : memref<8192xf32, #tpu.memory_space<vmem>>, vector<8192xf32>
    %add3A_47 = arith.addf %get3A_44, %get3A_46 : vector<8192xf32>
    %slice3A_48 = vector.extract_strided_slice %add3A_47 {offsets = [0], sizes = [5000], strides = [1]} : vector<8192xf32> to vector<5000xf32>
    %get3A_49 = arith.constant 0 : index
    %get3A_50 = arith.constant 0 : index
    %get3A_51 = vector.load %arg12[%get3A_49, %get3A_50] : memref<5000x64xf32, #tpu.memory_space<vmem>>, vector<5000x64xf32>
    %broadcast_in_dim3A_52 = vector.shape_cast %slice3A_48 : vector<5000xf32> to vector<5000x1xf32>
    %mul3A_53 = vector.broadcast %broadcast_in_dim3A_52 : vector<5000x1xf32> to vector<5000x64xf32>
    %mul3A_54 = arith.mulf %get3A_51, %mul3A_53 : vector<5000x64xf32>
    %reduce_sum3A_55 = arith.constant dense<0.000000e+00> : vector<64xf32>
    %reduce_sum3A_56 = vector.multi_reduction <add>, %mul3A_54, %reduce_sum3A_55 [0] : vector<5000x64xf32> to vector<64xf32>
    %broadcast_in_dim3A_57 = vector.shape_cast %reduce_sum3A_56 : vector<64xf32> to vector<1x64xf32>
    %add3A_58 = arith.addf %add3A_42, %broadcast_in_dim3A_57 : vector<1x64xf32>
    %get3A_59 = arith.constant 0 : index
    %get3A_60 = arith.constant 0 : index
    %get3A_61 = vector.load %arg16[%get3A_59, %get3A_60] : memref<1x64xf32, #tpu.memory_space<vmem>>, vector<1x64xf32>
    %add3A_62 = arith.addf %get3A_61, %add3A_58 : vector<1x64xf32>
    %swap3A = arith.constant 0 : index
    %swap3A_63 = arith.constant 0 : index
    %swap3A_64 = vector.load %arg16[%swap3A, %swap3A_63] : memref<1x64xf32, #tpu.memory_space<vmem>>, vector<1x64xf32>
    tpu.vector_store %arg16[%swap3A, %swap3A_63], %add3A_62 {strides = array<i32>} : memref<1x64xf32, #tpu.memory_space<vmem>>, vector<1x64xf32>,
    %eq3A_65 = arith.constant 4 : i32
    %eq3A_66 = arith.cmpi eq, %arg0, %eq3A_65 : i32
    %convert_element_type3A_67 = arith.extui %eq3A_66 : i1 to i32
    %cond3A_68 = arith.constant 0 : i32
    %cond3A_69 = arith.cmpi ne, %convert_element_type3A_67, %cond3A_68 : i32
    scf.if %cond3A_69 {
      %get3A_70 = arith.constant 0 : index
      %get3A_71 = arith.constant 0 : index
      %get3A_72 = vector.load %arg16[%get3A_70, %get3A_71] : memref<1x64xf32, #tpu.memory_space<vmem>>, vector<1x64xf32>
      %mul3A_73 = arith.constant 6.10351563E-5 : f32
      %mul3A_74 = vector.broadcast %mul3A_73 : f32 to vector<1x64xf32>
      %mul3A_75 = arith.mulf %get3A_72, %mul3A_74 : vector<1x64xf32>
      %get3A_76 = arith.constant 0 : index
      %get3A_77 = arith.constant 0 : index
      %get3A_78 = vector.load %arg13[%get3A_76, %get3A_77] : memref<64x64xf32, #tpu.memory_space<vmem>>, vector<64x64xf32>
      %dot_general3A = arith.constant dense<0.000000e+00> : vector<1x64xf32>
      %dot_general3A_79 = tpu.matmul %mul3A_75, %get3A_78, %dot_general3A {dimension_numbers = #tpu.dot_dimension_numbers<[1], [1], [0], [0], [0, 0, 1, 0], [], []>, transpose_lhs_hint = false} : vector<1x64xf32>, vector<64x64xf32>, vector<1x64xf32> -> vector<1x64xf32>
      %get3A_80 = arith.constant 0 : index
      %get3A_81 = arith.constant 0 : index
      %get3A_82 = vector.load %arg14[%get3A_80, %get3A_81] : memref<1x64xf32, #tpu.memory_space<vmem>>, vector<1x64xf32>
      %add3A_83 = arith.addf %dot_general3A_79, %get3A_82 : vector<1x64xf32>
      %swap3A_84 = arith.constant 0 : index
      %swap3A_85 = arith.constant 0 : index
      %swap3A_86 = vector.load %arg15[%swap3A_84, %swap3A_85] : memref<1x64xf32, #tpu.memory_space<vmem>>, vector<1x64xf32>
      tpu.vector_store %arg15[%swap3A_84, %swap3A_85], %add3A_83 {strides = array<i32>} : memref<1x64xf32, #tpu.memory_space<vmem>>, vector<1x64xf32>,
    } else {
    }
    return
  }
  func.func @transform_0(%arg0: i32) -> i32 {
    %add3A = arith.constant 0 : i32
    %add3A_0 = arith.addi %arg0, %add3A : i32
    %c0_i32 = arith.constant 0 : i32
    return %add3A_0 : i32
  }
  func.func @transform_1(%arg0: i32) -> i32 {
    %add3A = arith.constant 0 : i32
    %add3A_0 = arith.addi %arg0, %add3A : i32
    %add3A_1 = arith.constant 20 : i32
    %add3A_2 = arith.addi %add3A_0, %add3A_1 : i32
    %c0_i32 = arith.constant 0 : i32
    return %add3A_2 : i32
  }
  func.func @transform_2(%arg0: i32) -> i32 {
    %add3A = arith.constant 5 : i32
    %add3A_0 = arith.addi %arg0, %add3A : i32
    %c0_i32 = arith.constant 0 : i32
    return %add3A_0 : i32
  }
  func.func @transform_3(%arg0: i32) -> i32 {
    %add3A = arith.constant 5 : i32
    %add3A_0 = arith.addi %arg0, %add3A : i32
    %add3A_1 = arith.constant 20 : i32
    %add3A_2 = arith.addi %add3A_0, %add3A_1 : i32
    %c0_i32 = arith.constant 0 : i32
    return %add3A_2 : i32
  }
  func.func @transform_4(%arg0: i32) -> i32 {
    %add3A = arith.constant 10 : i32
    %add3A_0 = arith.addi %arg0, %add3A : i32
    %c0_i32 = arith.constant 0 : i32
    return %add3A_0 : i32
  }
  func.func @transform_5(%arg0: i32) -> i32 {
    %add3A = arith.constant 10 : i32
    %add3A_0 = arith.addi %arg0, %add3A : i32
    %add3A_1 = arith.constant 20 : i32
    %add3A_2 = arith.addi %add3A_0, %add3A_1 : i32
    %c0_i32 = arith.constant 0 : i32
    return %add3A_2 : i32
  }
  func.func @transform_6(%arg0: i32) -> i32 {
    %add3A = arith.constant 15 : i32
    %add3A_0 = arith.addi %arg0, %add3A : i32
    %c0_i32 = arith.constant 0 : i32
    return %add3A_0 : i32
  }
  func.func @transform_7(%arg0: i32) -> i32 {
    %add3A = arith.constant 15 : i32
    %add3A_0 = arith.addi %arg0, %add3A : i32
    %add3A_1 = arith.constant 20 : i32
    %add3A_2 = arith.addi %add3A_0, %add3A_1 : i32
    %c0_i32 = arith.constant 0 : i32
    return %add3A_2 : i32
  }
  func.func @transform_8(%arg0: i32) -> (i32, i32) {
    %add3A = arith.constant 0 : i32
    %add3A_0 = arith.addi %arg0, %add3A : i32
    %c0_i32 = arith.constant 0 : i32
    %c0_i32_1 = arith.constant 0 : i32
    return %add3A_0, %c0_i32 : i32, i32
  }
  func.func @transform_9(%arg0: i32) -> (i32, i32) {
    %add3A = arith.constant 5 : i32
    %add3A_0 = arith.addi %arg0, %add3A : i32
    %c0_i32 = arith.constant 0 : i32
    %c0_i32_1 = arith.constant 0 : i32
    return %add3A_0, %c0_i32 : i32, i32
  }
  func.func @transform_10(%arg0: i32) -> (i32, i32) {
    %add3A = arith.constant 10 : i32
    %add3A_0 = arith.addi %arg0, %add3A : i32
    %c0_i32 = arith.constant 0 : i32
    %c0_i32_1 = arith.constant 0 : i32
    return %add3A_0, %c0_i32 : i32, i32
  }
  func.func @transform_11(%arg0: i32) -> (i32, i32) {
    %add3A = arith.constant 15 : i32
    %add3A_0 = arith.addi %arg0, %add3A : i32
    %c0_i32 = arith.constant 0 : i32
    %c0_i32_1 = arith.constant 0 : i32
    return %add3A_0, %c0_i32 : i32, i32
  }
  func.func @transform_12(%arg0: i32) -> (i32, i32) {
    %c0_i32 = arith.constant 0 : i32
    %c0_i32_0 = arith.constant 0 : i32
    %c0_i32_1 = arith.constant 0 : i32
    return %c0_i32, %c0_i32_0 : i32, i32
  }
  func.func @transform_13(%arg0: i32) -> (i32, i32) {
    %c0_i32 = arith.constant 0 : i32
    %c0_i32_0 = arith.constant 0 : i32
    %c0_i32_1 = arith.constant 0 : i32
    return %c0_i32, %c0_i32_0 : i32, i32
  }
  func.func @transform_14(%arg0: i32) -> (i32, i32) {
    %c0_i32 = arith.constant 0 : i32
    %c0_i32_0 = arith.constant 0 : i32
    %c0_i32_1 = arith.constant 0 : i32
    return %c0_i32, %c0_i32_0 : i32, i32
  }
}

</mosaic_0001>

<sc_bundles>
// kernel: kernel.4.cloned.1.call-start
scs
__scs_entry_jumppad:
0x0: {  	(pc) =	sbr.rel $0x88, $3  }
0x1: {  	(tag) =	ssettag $0x0;
	lr =	simm.s32 $0x1  }
0x2: {  	[smem:$0x3F9D] =	sst lr;
	_ =	strace $0xD0000000  }
0x3: {  	_ = 	snop  }
0x4: {  	_ = 	snop  }
0x5: {  	_ = 	snop  }
0x6: {  	_ = 	snop  }
0x7: {  	_ = 	snop  }
__scs_overlays_trampoline_lowered:
0x8: {  	[smem:$0x3FAC] =	sst s0  }
0x9: {  	[smem:$0x3FAD] =	sst s1  }
0xa: {  	[smem:$0x3FAE] =	sst s2  }
0xb: {  	[smem:$0x3FAF] =	sst s3  }
0xc: {  	[smem:$0x3FB0] =	sst s4  }
0xd: {  	[smem:$0x3FB1] =	sst s5  }
0xe: {  	[smem:$0x3FB2] =	sst s6  }
0xf: {  	[smem:$0x3FB3] =	sst s7  }
0x10: {  	[smem:$0x3FB4] =	sst s8  }
0x11: {  	[smem:$0x3FB5] =	sst s9;
	s0 =	simm.s32 @!p0 $0x0  }
0x12: {  	s1 =	sld [smem:$0x3F9B];
	s0 =	simm.s32 @p0 $0x1  }
0x13: {  	[smem:$0x3FB6] =	sst s0;
	s0 =	simm.s32 @!p1 $0x0  }
0x14: {  	s2 =	sld [smem:$0x3F9A];
	s0 =	simm.s32 @p1 $0x1  }
0x15: {  	[smem:$0x3FB7] =	sst s0;
	s0 =	simm.s32 @!p2 $0x0  }
0x16: {  	s3 =	sld [smem:$0x3FDB];
	s0 =	simm.s32 @p2 $0x1  }
0x17: {  	s4 =	simm.s32 $0x1BF5;
	[smem:$0x3FB9] =	sst s0  }
0x18: {  	s0 =	sld [smem:$0x3F9C];
	_ =	swait.ge [sflag:s4], $0x0  }
0x19: {  	s7 =	sld [smem:$0x3F9D]  }
0x1a: {  	s8 =	sadd.s32 $0xFFFFE003, lr  }
0x1b: {  	s9 =	sadd.s32 $0xFFFFFEF7, lr;
	s5 =	simm.s32 $0xFFFFFFFF;
	p2 =	slt.u32 s8, $0xFFFFF086  }
0x1c: {  	p1 =	slt.u32 s9, $0xF7A;
	s5 =	simm.s32 @!p2 $0x0  }
0x1d: {  	s5 =	simm.s32 @p1 $0x1;
	p0 =	seq.s32 s7, s2  }
0x1e: {  	s7 =	smul.u32 @!p0 $0xF7A, s2;
	p2 =	seq.s32 @!p0 s5, $0x0  }
0x1f: {  	s9 =	smul.u32 $0xF7A, s1;
	s8 =	simm.s32 @!p0 $0x1BF5;
	p2 =	por !p2, p0  }
0x20: {  	[sflag:s8] =	ssyncset.s32 @!p0 $0xFFFFF086;
	s6 =	sadd.s32 @!p0 s3, s7;
	s7 =	simm.s32 @!p0 $0x108  }
0x21: {  	s3 =	sadd.s32 s3, s9;
	s6 =	sadd.s32 @!p0 $0x88, s6;
	s7 =	simm.s32 @p2 $0x1082  }
0x22: {  	[simem:s7], [sflag:s8] =	dma.local @!p0 [hbm:s6], $0xF7A  }
0x23: {  	s9 =	sor.u32 $0xD0000000, s2;
	s6 =	simm.s32 $0x108;
	_ =	swait.ge @!p0 [sflag:s8], $0x0  }
0x24: {  	s3 =	sadd.s32 $0x88, s3;
	s6 =	simm.s32 @!p1 $0x1082;
	[sflag:s4] =	ssyncset.s32 $0xFFFFF086  }
0x25: {  	[simem:s6], [sflag:s4] =	dma.local [hbm:s3], $0xF7A  }
0x26: {  	[smem:$0x3F9D] =	sst s1;
	(tag) =	ssettag s2;
	_ =	strace s9  }
0x27: {  	s1 =	sld [smem:$0x3FAD]  }
0x28: {  	s2 =	sld [smem:$0x3FAE]  }
0x29: {  	s4 =	sld [smem:$0x3FB0]  }
0x2a: {  	p0 =	seq.s32 s5, $0x0;
	s5 =	sld [smem:$0x3FB1]  }
0x2b: {  	s6 =	sld [smem:$0x3FB2]  }
0x2c: {  	s7 =	sld [smem:$0x3FB3]  }
0x2d: {  	s3 =	simm.s32 $0x108;
	s8 =	sld [smem:$0x3FB4]  }
0x2e: {  	s3 =	simm.s32 @!p0 $0x1082;
	s9 =	sld [smem:$0x3FB5]  }
0x2f: {  	lr =	sadd.s32 s0, s3;
	s0 =	sld [smem:$0x3FAC]  }
0x30: {  	s3 =	sld [smem:$0x3FAF]  }
0x31: {  	[smem:$0x3FB8] =	sst s10  }
0x32: {  	s10 =	sld [smem:$0x3FB6];
	_ =	sdelay $0x3  }
0x33: {  	p0 =	seq.s32 s10, $0x1;
	s10 =	sld [smem:$0x3FB8];
	_ =	sdelay $0x3  }
0x34: {  	[smem:$0x3FB8] =	sst s10  }
0x35: {  	s10 =	sld [smem:$0x3FB7];
	_ =	sdelay $0x3  }
0x36: {  	p1 =	seq.s32 s10, $0x1;
	s10 =	sld [smem:$0x3FB8];
	_ =	sdelay $0x3  }
0x37: {  	[smem:$0x3FB8] =	sst s10  }
0x38: {  	s10 =	sld [smem:$0x3FB9]  }
0x39: {  	_ = 	snop;
	(pc) =	sbr.ind lr, $3  }
0x3a: {  	_ = 	snop  }
0x3b: {  	_ = 	snop  }
0x3c: {  	p2 =	seq.s32 s10, $0x1;
	s10 =	sld [smem:$0x3FB8]  }
0x3d: {  	_ =	shalt  }
0x3e: {  	_ =	shalt  }
0x3f: {  	_ =	shalt  }
0x40: {  	_ =	shalt  }
0x41: {  	_ =	shalt  }
0x42: {  	_ =	shalt  }
0x43: {  	_ =	shalt  }
0x44: {  	_ =	shalt  }
0x45: {  	_ =	shalt  }
0x46: {  	_ =	shalt  }
0x47: {  	_ =	shalt  }
0x48: {  	_ =	shalt  }
0x49: {  	_ =	shalt  }
0x4a: {  	_ =	shalt  }
0x4b: {  	_ =	shalt  }
0x4c: {  	_ =	shalt  }
0x4d: {  	_ =	shalt  }
0x4e: {  	_ =	shalt  }
0x4f: {  	_ =	shalt  }
0x50: {  	_ =	shalt  }
0x51: {  	_ =	shalt  }
0x52: {  	_ =	shalt  }
0x53: {  	_ =	shalt  }
0x54: {  	_ =	shalt  }
0x55: {  	_ =	shalt  }
0x56: {  	_ =	shalt  }
0x57: {  	_ =	shalt  }
0x58: {  	_ =	shalt  }
0x59: {  	_ =	shalt  }
0x5a: {  	_ =	shalt  }
0x5b: {  	_ =	shalt  }
0x5c: {  	_ =	shalt  }
0x5d: {  	_ =	shalt  }
0x5e: {  	_ =	shalt  }
0x5f: {  	_ =	shalt  }
0x60: {  	_ =	shalt  }
0x61: {  	_ =	shalt  }
0x62: {  	_ =	shalt  }
0x63: {  	_ =	shalt  }
0x64: {  	_ =	shalt  }
0x65: {  	_ =	shalt  }
0x66: {  	_ =	shalt  }
0x67: {  	_ =	shalt  }
0x68: {  	_ =	shalt  }
0x69: {  	_ =	shalt  }
0x6a: {  	_ =	shalt  }
0x6b: {  	_ =	shalt  }
0x6c: {  	_ =	shalt  }
0x6d: {  	_ =	shalt  }
0x6e: {  	_ =	shalt  }
0x6f: {  	_ =	shalt  }
0x70: {  	_ =	shalt  }
0x71: {  	_ =	shalt  }
0x72: {  	_ =	shalt  }
0x73: {  	_ =	shalt  }
0x74: {  	_ =	shalt  }
0x75: {  	_ =	shalt  }
0x76: {  	_ =	shalt  }
0x77: {  	_ =	shalt  }
0x78: {  	_ =	shalt  }
0x79: {  	_ =	shalt  }
0x7a: {  	_ =	shalt  }
0x7b: {  	_ =	shalt  }
0x7c: {  	_ =	shalt  }
0x7d: {  	_ =	shalt  }
0x7e: {  	_ =	shalt  }
0x7f: {  	_ =	shalt  }
0x80: {  	_ =	shalt  }
0x81: {  	_ =	shalt  }
0x82: {  	_ =	shalt  }
0x83: {  	_ =	shalt  }
0x84: {  	_ =	shalt  }
0x85: {  	_ =	shalt  }
0x86: {  	_ =	shalt  }
0x87: {  	_ =	shalt  }
.Lfunc_end0:
.L_simem_size_0:
called_computation_lowered:
.L_overlay_start_0:
0x88: {  	s2 =	sld [smem:$0x3FD9]  }
0x89: {  	s3 =	sld [smem:$0x3FFE];
	_ =	sdelay $0x1  }
0x8a: {  	s1 =	srdreg.scid  }
0x8b: {  	s0 =	sand.u32 $0x1, s1  }
0x8c: {  	s17 =	sshll.u32 s0, $0xA;
	s2 =	sadd.s32 s3, s2  }
0x8d: {  	s2 =	sadd.s32 s2, s17  }
0x8e: {  	[smem:$0x3FC4] =	sst s2  }
0x8f: {  	_ = 	snop  }
0x90: {  	s2 =	sld [smem:$0x3FC9];
	(tm) =	ssettm $0x1  }
0x91: {  	s18 =	sld [smem:$0x3FFB];
	_ =	sdelay $0x3  }
0x92: {  	_ =	strace s18  }
0x93: {  	s3 =	sld [smem:$0x3FFC];
	_ =	sdelay $0x3  }
0x94: {  	_ =	strace s3  }
0x95: {  	s3 =	sld [smem:$0x3FFD];
	_ =	sdelay $0x3  }
0x96: {  	_ =	strace s3  }
0x97: {  	_ =	strace $0x8FFFFFFF  }
0x98: {  	s19 =	sld [smem:$0x3FDB];
	_ =	sdelay $0x1  }
0x99: {  	s4 =	simm.s32 $_scs_section_size  }
0x9a: {  	s5 =	simm.s32 $_size__tile_overlayer_lowered;
	s6 =	simm.s32 $_tile_overlayer_lowered  }
0x9b: {  	s22 =	simm.s32 $0x1BFF;
	s21 =	sshll.u32 s6, $0x1;
	s3 =	sadd.s32 s4, s19  }
0x9c: {  	s7 =	simm.s32 $0x0;
	s20 =	sshll.u32 s5, $0x1;
	s5 =	sadd.s32 s21, s3  }
0x9d: {  	[timem:s7], [sflag:s22] =	dma.local [hbm:s5], s20  }
0x9e: {  	_ =	swait.ge [sflag:s22], s20  }
0x9f: {  	s4 =	ssub.s32 $0x0, s20;
	[sflag:s22] =	ssyncset.done $0x0  }
0xa0: {  	[sflag:s22] =	ssyncadd.s32 s4;
	_ =	sdelay $0x1  }
0xa1: {  	s23 =	simm.s32 $0x1B8B  }
0xa2: {  	_ =	swait.ge [sflag:s23], $0x1  }
0xa3: {  	[sflag:s23] =	ssyncset.done $0x0  }
0xa4: {  	s25 =	simm.s32 $0x1B8E;
	s24 =	sld [smem:$0x3FFE];
	[sflag:s23] =	ssyncadd.s32 $0xFFFFFFFF  }
0xa5: {  	s26 =	simm.s32 $execute0_lowered;
	[smem:$0x3FD2] =	sst s25  }
0xa6: {  	s5 =	sshll.u32 s26, $0x1;
	_ =	strace $0x80000046;
	[dreg:$0x1] =	wrdreg $0xFFFFFFFF  }
0xa7: {  	s28 =	simm.s32 $_size_execute0_lowered;
	s3 =	sadd.s32 s3, s5;
	[dreg:$0x0] =	wrdreg $0x0  }
0xa8: {  	s5 =	sshll.u32 s28, $0x1;
	[dreg:$0x2] =	wrdreg s3  }
0xa9: {  	[dreg:$0x3] =	wrdreg s5  }
0xaa: {  	[dreg:$0x4] =	wrdreg $0xC0  }
0xab: {  	_ =	task [dreg:s7], $0x5FFFF  }
0xac: {  	[dreg:$0x1] =	wrdreg $0xFFFFFFFF  }
0xad: {  	[dreg:$0x0] =	wrdreg $0x60  }
0xae: {  	[dreg:$0x2] =	wrdreg s2  }
0xaf: {  	[dreg:$0x3] =	wrdreg s24  }
0xb0: {  	[dreg:$0x4] =	wrdreg $0x2A800  }
0xb1: {  	[dreg:$0x5] =	wrdreg $0x9  }
0xb2: {  	_ =	task.clear_ibuf [dreg:s7], $0x6FFFF;
	_ =	strace $0x90000046  }
0xb3: {  	s29 =	simm.s32 $0x9;
	_ =	strace $0x80000048  }
0xb4: {  	_ =	swait.ge [sflag:s29], $0x1  }
0xb5: {  	[sflag:s29] =	ssyncadd.s32 $0xFFFFFFFF  }
0xb6: {  	_ =	strace $0x90000048  }
0xb7: {  	_ =	sfence  }
0xb8: {  	s30 =	sld [smem:$0x0];
	_ =	sdelay $0x2  }
0xb9: {  	s31 =	sshll.u32 s1, $0xD;
	s1 =	sshrl.u32 s1, $0x2  }
0xba: {  	s3 =	sand.u32 $0x4000, s31;
	s1 =	sadd.s32 s1, s30  }
0xbb: {  	s0 =	sor.u32 s3, s0;
	s1 =	sshll.u32 s1, $0x11  }
0xbc: {  	s0 =	sor.u32 s1, s0  }
0xbd: {  	s0 =	sadd.s32 $0x8F2B, s0  }
0xbe: {  	[sflag:s0] =	ssyncadd.remote.s32 $0x1  }
0xbf: {  	_ =	sfence.sel $0xFFFF  }
0xc0: {  	[dreg:$0x0] =	wrdreg $0xFFFFFFFF;
	(pc) =	sbr.abs _section_cstart, $3  }
0xc1: {  	[dreg:$0x1] =	wrdreg $0xFFFFFFFF  }
0xc2: {  	_ =	task.clear_ibuf [dreg:s7], $0x2FFFF;
	_ =	strace $0x9FFFFFFF  }
0xc3: {  	(tm) =	ssettm $0x7FFFFFFF  }
tec
execute0_lowered:
.L_overlay_start_1:
0x0: {  	(tag) =	ssettag $0x1  }
0x1: {  	s4 =	rddreg [dreg:$0x0]  }
0x2: {  	s5 =	rddreg [dreg:$0x1]  }
0x3: {  	s1 =	srdreg.scid;
	s0 =	stileid.u32  }
0x4: {  	s2 =	rddreg [dreg:$0x2];
	s3 =	simm.s32 $0x0;
	s12 =	simm.s32 $0x80  }
0x5: {  	s13 =	simm.s32 $0x100;
	s14 =	simm.s32 $0x180;
	s15 =	simm.s32 $0x280  }
0x6: {  	s16 =	simm.s32 $0x200;
	s6 =	sand.u32 $0x1, s1;
	s1 =	rddreg [dreg:$0x3]  }
0x7: {  	s19 =	simm.s32 $0x0;
	s8 =	smul.u32 $0x2800, s0;
	[smem:$0x7FF] =	sst s3  }
0x8: {  	s17 =	sshll.u32 s0, $0x6;
	s7 =	smul.u32 $0x28000, s6;
	s9 =	ssub.s32 $0x2, s6  }
0x9: {  	_ =	strace $0x80000047;
	s6 =	sshll.u32 s6, $0xA;
	s10 =	sshrl.u32 s9, $0x1  }
0xa: {  	s6 =	sor.u32 s17, s6;
	s17 =	sor.u32 $0x1C01, s17;
	s7 =	sadd.s32 s8, s7  }
0xb: {  	s10 =	ssub.s32 s9, s10;
	s4 =	sadd.s32 s4, s6;
	s8 =	sadd.s32 s8, s2  }
0xc: {  	s7 =	sshrl.u32 s7, $0x3;
	s6 =	sadd.s32 $0x20, s4;
	s10 =	smax.u32 s10, $0x1  }
0xd: {  	s18 =	sshrl.u32 s8, $0x3;
	s11 =	sadd.s32 s7, s5;
	s5 =	sadd.s32 $0x10, s4  }
0xe: {  	v0 =	vimm.f32 $1.000000000e+00;
	v1 =	vimm.f32 $0.0e+00;
	s7 =	sadd.s32 $0x30, s4;
	s9 =	sadd.s32 $0xA00, s11;
	s11 =	simm.s32 $0x1  }
.LBB2_1:
0xf: {  	[tilespmem:s3], [sflag:$0x1] =	stream.linear.gather [hbm4b:s4+s3], $0x80, $0x38;
	[tilespmem:$0x5280] =	vst v63  }
0x10: {  	_ =	swait.ge [sflag:s11], $0x80  }
0x11: {  	[sflag:s11] =	ssyncset.done $0x0  }
0x12: {  	[sflag:s11] =	ssyncadd.s32 $0xFFFFFF80  }
0x13: {  	[tilespmem:s12], [sflag:$0x1] =	stream.linear.gather [hbm4b:s5+s3], $0x80, $0x38;
	[tilespmem:$0x5280] =	vst v63  }
0x14: {  	_ =	swait.ge [sflag:s11], $0x80  }
0x15: {  	[sflag:s11] =	ssyncset.done $0x0  }
0x16: {  	[sflag:s11] =	ssyncadd.s32 $0xFFFFFF80  }
0x17: {  	[tilespmem:s13], [sflag:$0x1] =	stream.linear.gather [hbm4b:s6+s3], $0x80, $0x38;
	[tilespmem:$0x5280] =	vst v63  }
0x18: {  	_ =	swait.ge [sflag:s11], $0x80  }
0x19: {  	[sflag:s11] =	ssyncset.done $0x0  }
0x1a: {  	[sflag:s11] =	ssyncadd.s32 $0xFFFFFF80  }
0x1b: {  	[tilespmem:s14], [sflag:$0x1] =	stream.linear.gather [hbm4b:s7+s3], $0x80, $0x38;
	[tilespmem:$0x5280] =	vst v63  }
0x1c: {  	_ =	swait.ge [sflag:s11], $0x80  }
0x1d: {  	[sflag:s11] =	ssyncset.done $0x0  }
0x1e: {  	[sflag:s11] =	ssyncadd.s32 $0xFFFFFF80  }
0x1f: {  	v2 =	vld [tilespmem:$0x0]  }
0x20: {  	v3 =	vld [tilespmem:$0x10]  }
0x21: {  	v5 =	vld [tilespmem:$0x20]  }
0x22: {  	v6 =	vld [tilespmem:$0x30]  }
0x23: {  	v9 =	vld [tilespmem:$0x40]  }
0x24: {  	v11 =	vld [tilespmem:$0x50]  }
0x25: {  	v12 =	vld [tilespmem:$0x60]  }
0x26: {  	v14 =	vld [tilespmem:$0x70]  }
0x27: {  	v16 =	vld [tilespmem:$0x80]  }
0x28: {  	v56 =	vld [tilespmem:$0x90]  }
0x29: {  	v17 =	vld [tilespmem:$0xA0]  }
0x2a: {  	v19 =	vld [tilespmem:$0xB0]  }
0x2b: {  	v63 =	vld [tilespmem:$0xC0]  }
0x2c: {  	v20 =	vld [tilespmem:$0xD0];
	v4 =	vcvt.s32.f32 v2  }
0x2d: {  	v22 =	vld [tilespmem:$0xE0];
	v7 =	vcvt.s32.f32 v3;
	v8 =	vcvt.s32.f32 v5  }
0x2e: {  	v33 =	vld [tilespmem:$0xF0];
	v10 =	vcvt.s32.f32 v6;
	v13 =	vcvt.s32.f32 v9  }
0x2f: {  	v23 =	vld [tilespmem:$0x100];
	v54 =	vcvt.s32.f32 v11;
	v15 =	vcvt.s32.f32 v12  }
0x30: {  	v25 =	vld [tilespmem:$0x110];
	v58 =	vcvt.s32.f32 v14;
	v61 =	vcvt.s32.f32 v16  }
0x31: {  	v37 =	vld [tilespmem:$0x120];
	v18 =	vcvt.s32.f32 v56;
	v28 =	vcvt.s32.f32 v17  }
0x32: {  	v26 =	vld [tilespmem:$0x130];
	v31 =	vcvt.s32.f32 v19;
	v21 =	vcvt.s32.f32 v63  }
0x33: {  	v34 =	vcvt.s32.f32 v20;
	v36 =	vcvt.s32.f32 v22  }
0x34: {  	v24 =	vcvt.s32.f32 v33;
	v38 =	vcvt.s32.f32 v23  }
0x35: {  	v41 =	vcvt.s32.f32 v25;
	v4 =	vadd.f32 $5.000000000e-01, v4;
	v7 =	vadd.f32 $5.000000000e-01, v7  }
0x36: {  	v27 =	vcvt.s32.f32 v37;
	v8 =	vadd.f32 $5.000000000e-01, v8;
	v10 =	vadd.f32 $5.000000000e-01, v10  }
0x37: {  	v44 =	vcvt.s32.f32 v26;
	v53 =	vadd.f32 $5.000000000e-01, v13;
	v13 =	vadd.f32 $5.000000000e-01, v54  }
0x38: {  	v55 =	vadd.f32 $5.000000000e-01, v15;
	v4 =	vmul.f32 $1.999999950e-04, v4;
	v7 =	vmul.f32 $1.999999950e-04, v7  }
0x39: {  	v18 =	vadd.f32 $5.000000000e-01, v18;
	v8 =	vmul.f32 $1.999999950e-04, v8;
	v52 =	vmul.f32 $1.999999950e-04, v10  }
0x3a: {  	v24 =	vadd.f32 $5.000000000e-01, v24;
	v10 =	vmul.f32 $1.999999950e-04, v53;
	v13 =	vmul.f32 $1.999999950e-04, v13  }
0x3b: {  	v57 =	vmul.f32 $1.999999950e-04, v55;
	v30 =	vmul.f32 $1.999999950e-04, v18  }
0x3c: {  	v40 =	vmul.f32 $1.999999950e-04, v24;
	v4 =	vtrunc.f32 v4  }
0x3d: {  	v18 =	vadd.f32 $5.000000000e-01, v31;
	v7 =	vtrunc.f32 v7;
	v51 =	vtrunc.f32 v8  }
0x3e: {  	v24 =	vadd.f32 $5.000000000e-01, v41;
	v8 =	vtrunc.f32 v52;
	v10 =	vtrunc.f32 v10  }
0x3f: {  	v60 =	vtrunc.f32 v13;
	v18 =	vmul.f32 $1.999999950e-04, v18  }
0x40: {  	v32 =	vadd.f32 $5.000000000e-01, v21;
	v24 =	vmul.f32 $1.999999950e-04, v24;
	v4 =	vcvt.f32.s32 v4  }
0x41: {  	v13 =	vadd.f32 $5.000000000e-01, v61;
	v7 =	vcvt.f32.s32 v7;
	v8 =	vcvt.f32.s32 v8  }
0x42: {  	v43 =	vld [tilespmem:$0x150];
	v42 =	vadd.f32 $5.000000000e-01, v27;
	v59 =	vcvt.f32.s32 v10;
	v10 =	vcvt.f32.s32 v60  }
0x43: {  	v13 =	vmul.f32 $1.999999950e-04, v13;
	v35 =	vtrunc.f32 v18;
	v18 =	vadd.f32 $5.000000000e-01, v36  }
0x44: {  	v45 =	vtrunc.f32 v24;
	v4 =	vmul.u32 $0xC78, v4;
	v7 =	vmul.u32 $0xC78, v7  }
0x45: {  	v47 =	vld [tilespmem:$0x180];
	v8 =	vmul.u32 $0xC78, v8;
	v15 =	vcvt.f32.s32 v35;
	v21 =	vcvt.f32.s32 v45  }
0x46: {  	v62 =	vmul.u32 $0xC78, v10;
	v29 =	vtrunc.f32 v13;
	v13 =	vtrunc.f32 v30  }
0x47: {  	v18 =	vmul.f32 $1.999999950e-04, v18;
	v30 =	vcvt.s32.f32 v43;
	v2 =	vadd.s32 v2, v4  }
0x48: {  	v4 =	vcvt.f32.s32 v51;
	v3 =	vadd.s32 v3, v7;
	v6 =	vadd.s32 v6, v8  }
0x49: {  	v7 =	vadd.f32 $5.000000000e-01, v58;
	v8 =	vmul.u32 $0xC78, v59;
	v13 =	vcvt.f32.s32 v13  }
0x4a: {  	v15 =	vmul.u32 $0xC78, v15;
	v59 =	vcvt.s32.f32 v47;
	v39 =	vtrunc.f32 v18  }
0x4b: {  	v18 =	vtrunc.f32 v40;
	v49 =	vadd.f32 $5.000000000e-01, v30;
	v4 =	vmul.u32 $0xC78, v4  }
0x4c: {  	v31 =	vld [tilespmem:$0x170];
	v7 =	vmul.f32 $1.999999950e-04, v7;
	v8 =	vadd.s32 v9, v8;
	v9 =	vadd.s32 v11, v62  }
0x4d: {  	v11 =	vadd.f32 $5.000000000e-01, v28;
	v13 =	vmul.u32 $0xC78, v13;
	v15 =	vadd.s32 v19, v15  }
0x4e: {  	v19 =	vadd.f32 $5.000000000e-01, v38;
	v18 =	vcvt.f32.s32 v18;
	v53 =	vmul.f32 $1.999999950e-04, v49  }
0x4f: {  	v4 =	vadd.s32 v5, v4;
	v5 =	vtrunc.f32 v57;
	v7 =	vtrunc.f32 v7  }
0x50: {  	v21 =	vmul.u32 $0xC78, v21;
	v40 =	vld [tilespmem:$0x1D0];
	v11 =	vmul.f32 $1.999999950e-04, v11;
	v19 =	vmul.f32 $1.999999950e-04, v19  }
0x51: {  	v28 =	vld [tilespmem:$0x140];
	v13 =	vadd.s32 v56, v13;
	v56 =	vcvt.s32.f32 v31;
	v5 =	vcvt.f32.s32 v5  }
0x52: {  	v62 =	vld [tilespmem:$0x1A0];
	v18 =	vmul.u32 $0xC78, v18;
	v7 =	vcvt.f32.s32 v7;
	v58 =	vtrunc.f32 v53  }
0x53: {  	[tilespmem:$0x10] =	vst v3;
	v3 =	vadd.s32 v25, v21;
	v11 =	vtrunc.f32 v11;
	v19 =	vtrunc.f32 v19  }
0x54: {  	[tilespmem:$0x40] =	vst v8;
	v18 =	vadd.s32 v33, v18;
	v8 =	vcvt.f32.s32 v58;
	v61 =	vadd.f32 $5.000000000e-01, v56  }
0x55: {  	v57 =	vld [tilespmem:$0x190];
	v45 =	vcvt.s32.f32 v40;
	v5 =	vmul.u32 $0xC78, v5;
	v11 =	vcvt.f32.s32 v11  }
0x56: {  	v7 =	vmul.u32 $0xC78, v7;
	v19 =	vcvt.f32.s32 v19;
	v46 =	vcvt.s32.f32 v28  }
0x57: {  	v36 =	vld [tilespmem:$0x1C0];
	v35 =	vcvt.s32.f32 v62;
	v25 =	vmul.u32 $0xC78, v8;
	v30 =	vmul.f32 $1.999999950e-04, v61  }
0x58: {  	v49 =	vadd.f32 $5.000000000e-01, v45;
	v5 =	vadd.s32 v12, v5;
	v12 =	vcvt.f32.s32 v29  }
0x59: {  	[tilespmem:$0x200] =	vst v0;
	v7 =	vadd.s32 v14, v7;
	v14 =	vmul.f32 $1.999999950e-04, v32;
	v11 =	vmul.u32 $0xC78, v11  }
0x5a: {  	[tilespmem:$0x50] =	vst v9;
	v19 =	vmul.u32 $0xC78, v19;
	v24 =	vadd.f32 $5.000000000e-01, v46;
	v33 =	vcvt.s32.f32 v57  }
0x5b: {  	v38 =	vadd.f32 $5.000000000e-01, v35;
	[tilespmem:$0x70] =	vst v7;
	v7 =	vadd.s32 v43, v25;
	v9 =	vtrunc.f32 v30  }
0x5c: {  	[tilespmem:$0x210] =	vst v0;
	v41 =	vld [tilespmem:$0x1E0];
	v43 =	vcvt.s32.f32 v36;
	v53 =	vmul.f32 $1.999999950e-04, v49;
	v12 =	vmul.u32 $0xC78, v12  }
0x5d: {  	[tilespmem:$0x220] =	vst v0;
	v29 =	vld [tilespmem:$0x160];
	v14 =	vtrunc.f32 v14;
	v11 =	vadd.s32 v17, v11;
	v48 =	vmul.f32 $1.999999950e-04, v24  }
0x5e: {  	v19 =	vadd.s32 v23, v19;
	v9 =	vcvt.f32.s32 v9;
	[tilespmem:$0x150] =	vst v7;
	v14 =	vcvt.f32.s32 v14  }
0x5f: {  	v24 =	vadd.f32 $5.000000000e-01, v59;
	[tilespmem:$0xA0] =	vst v11;
	v11 =	vmul.f32 $1.999999950e-04, v38;
	v7 =	vtrunc.f32 v53  }
0x60: {  	[tilespmem:$0x230] =	vst v0;
	v12 =	vadd.s32 v16, v12;
	v16 =	vadd.f32 $5.000000000e-01, v34;
	v52 =	vtrunc.f32 v48  }
0x61: {  	[tilespmem:$0x30] =	vst v6;
	v6 =	vmul.f32 $1.999999950e-04, v24;
	v34 =	vadd.f32 $5.000000000e-01, v33;
	v48 =	vcvt.s32.f32 v41  }
0x62: {  	[tilespmem:$0x240] =	vst v0;
	v14 =	vmul.u32 $0xC78, v14;
	v50 =	vcvt.s32.f32 v29;
	v16 =	vmul.f32 $1.999999950e-04, v16  }
0x63: {  	[tilespmem:$0x250] =	vst v0;
	v9 =	vmul.u32 $0xC78, v9;
	v54 =	vcvt.f32.s32 v52;
	v11 =	vtrunc.f32 v11  }
0x64: {  	[tilespmem:$0x260] =	vst v0;
	v32 =	vld [tilespmem:$0x1B0];
	v10 =	vadd.s32 v63, v14;
	v14 =	vcvt.f32.s32 v39;
	v16 =	vtrunc.f32 v16  }
0x65: {  	[tilespmem:$0x270] =	vst v0;
	v6 =	vtrunc.f32 v6;
	v9 =	vadd.s32 v31, v9;
	v16 =	vcvt.f32.s32 v16  }
0x66: {  	[tilespmem:$0x110] =	vst v3;
	v3 =	vcvt.f32.s32 v11;
	v52 =	vadd.f32 $5.000000000e-01, v48;
	v14 =	vmul.u32 $0xC78, v14  }
0x67: {  	[tilespmem:$0x0] =	vst v2;
	v55 =	vadd.f32 $5.000000000e-01, v50;
	v63 =	vmul.u32 $0xC78, v54;
	v16 =	vmul.u32 $0xC78, v16  }
0x68: {  	[tilespmem:$0xB0] =	vst v15;
	v6 =	vcvt.f32.s32 v6;
	v14 =	vadd.s32 v22, v14;
	v22 =	vadd.f32 $5.000000000e-01, v44  }
0x69: {  	[tilespmem:$0x20] =	vst v4;
	v39 =	vcvt.s32.f32 v32;
	v16 =	vadd.s32 v20, v16;
	v20 =	vmul.f32 $1.999999950e-04, v42  }
0x6a: {  	[tilespmem:$0x90] =	vst v13;
	v3 =	vmul.u32 $0xC78, v3;
	v60 =	vmul.f32 $1.999999950e-04, v55;
	v22 =	vmul.f32 $1.999999950e-04, v22  }
0x6b: {  	[tilespmem:$0x60] =	vst v5;
	v5 =	vadd.s32 v28, v63;
	v6 =	vmul.u32 $0xC78, v6;
	v20 =	vtrunc.f32 v20  }
0x6c: {  	[tilespmem:$0x80] =	vst v12;
	v12 =	vadd.f32 $5.000000000e-01, v39;
	v42 =	vld [tilespmem:$0x1F0];
	v2 =	vtrunc.f32 v22;
	v20 =	vcvt.f32.s32 v20  }
0x6d: {  	[tilespmem:$0xF0] =	vst v18;
	v55 =	vmul.f32 $1.999999950e-04, v52;
	v3 =	vadd.s32 v62, v3;
	v2 =	vcvt.f32.s32 v2  }
0x6e: {  	[tilespmem:$0x100] =	vst v19;
	v6 =	vadd.s32 v47, v6;
	v12 =	vmul.f32 $1.999999950e-04, v12;
	v20 =	vmul.u32 $0xC78, v20  }
0x6f: {  	[tilespmem:$0x170] =	vst v9;
	v44 =	vadd.f32 $5.000000000e-01, v43;
	v58 =	vtrunc.f32 v55;
	v2 =	vmul.u32 $0xC78, v2  }
0x70: {  	[tilespmem:$0xC0] =	vst v10;
	v47 =	vtrunc.f32 v12;
	v51 =	vadd.s32 v37, v20;
	v37 =	vmul.f32 $1.999999950e-04, v34  }
0x71: {  	[tilespmem:$0x140] =	vst v5;
	v50 =	vcvt.s32.f32 v42;
	v2 =	vadd.s32 v26, v2;
	v26 =	vtrunc.f32 v60  }
0x72: {  	[tilespmem:$0x1A0] =	vst v3;
	v8 =	vcvt.f32.s32 v26;
	v10 =	vtrunc.f32 v37  }
0x73: {  	[tilespmem:$0x130] =	vst v2;
	v2 =	vmul.f32 $1.999999950e-04, v44;
	v10 =	vcvt.f32.s32 v10  }
0x74: {  	v59 =	vcvt.f32.s32 v58;
	v54 =	vadd.f32 $5.000000000e-01, v50;
	[tilespmem:$0x120] =	vst v51;
	v51 =	vcvt.f32.s32 v47  }
0x75: {  	[tilespmem:$0xE0] =	vst v14;
	v8 =	vmul.u32 $0xC78, v8;
	v2 =	vtrunc.f32 v2;
	v46 =	vmul.u32 $0xC78, v10  }
0x76: {  	[tilespmem:$0x180] =	vst v6;
	v56 =	vmul.f32 $1.999999950e-04, v54;
	v5 =	vmul.u32 $0xC78, v51;
	v2 =	vcvt.f32.s32 v2  }
0x77: {  	[tilespmem:$0xD0] =	vst v16;
	v8 =	vadd.s32 v29, v8;
	v4 =	vadd.s32 v57, v46;
	v57 =	vcvt.f32.s32 v7  }
0x78: {  	v60 =	vtrunc.f32 v56;
	v3 =	vadd.s32 v32, v5;
	[tilespmem:$0x160] =	vst v8;
	v2 =	vmul.u32 $0xC78, v2  }
0x79: {  	v62 =	vcvt.f32.s32 v60;
	[tilespmem:$0x1B0] =	vst v3;
	v61 =	vmul.u32 $0xC78, v57  }
0x7a: {  	v3 =	vmul.u32 $0xC78, v59;
	[tilespmem:$0x190] =	vst v4;
	v2 =	vadd.s32 v36, v2  }
0x7b: {  	v63 =	vmul.u32 $0xC78, v62;
	[tilespmem:$0x1C0] =	vst v2;
	v2 =	vadd.s32 v40, v61  }
0x7c: {  	[tilespmem:$0x1D0] =	vst v2;
	v2 =	vadd.s32 v41, v3  }
0x7d: {  	[tilespmem:$0x1E0] =	vst v2;
	v2 =	vadd.s32 v42, v63  }
0x7e: {  	s20 =	simm.s32 $0x0;
	s21 =	simm.s32 $0x200;
	[tilespmem:$0x1F0] =	vst v2  }
.LBB2_2:
0x7f: {  	p0 =	sne.s32 s21, $0x9E00;
	[tilespmem:s20+$0x2F0] =	vst v1  }
0x80: {  	[tilespmem:s20+$0x280] =	vst v1  }
0x81: {  	[tilespmem:s20+$0x290] =	vst v1  }
.Ltmp0:
0x82: {  	[tilespmem:s20+$0x2A0] =	vst v1;
	(pc) =	sbr.rel @p0 .LBB2_2-.Ltmp0, $4  }
0x83: {  	[tilespmem:s20+$0x2B0] =	vst v1  }
0x84: {  	[tilespmem:s20+$0x2C0] =	vst v1  }
0x85: {  	[tilespmem:s20+$0x2D0] =	vst v1  }
0x86: {  	[tilespmem:s20+$0x2E0] =	vst v1;
	s20 =	sshra.s32 s21, $0x2;
	s21 =	sadd.s32 $0x200, s21  }
0x87: {  	[tilespmem:s20+$0x2F0] =	vst v1  }
0x88: {  	[tilespmem:s20+$0x280] =	vst v1  }
0x89: {  	[tilespmem:s20+$0x290] =	vst v1  }
0x8a: {  	[tilespmem:s20+$0x2A0] =	vst v1  }
0x8b: {  	[tilespmem:s20+$0x2B0] =	vst v1  }
0x8c: {  	[tilespmem:s20+$0x2C0] =	vst v1  }
0x8d: {  	[tilespmem:s20+$0x2D0] =	vst v1  }
0x8e: {  	[tilespmem:s20+$0x2E0] =	vst v1  }
0x8f: {  	[spmem:s8] =	stream.linear.scatter [tilespmem:s15], [sflag:$0x1], $0x2800, $0x38;
	[tilespmem:$0x5280] =	vst v63  }
0x90: {  	_ =	swait.ge [sflag:s11], $0x2800  }
0x91: {  	[sflag:s11] =	ssyncset.done $0x0  }
0x92: {  	[sflag:s11] =	ssyncadd.s32 $0xFFFFD800  }
0x93: {  	[bflag:$0x0] =	sbarrier.arrive $0xFFFF  }
0x94: {  	[spmem:s2] =	stream.indirect.scatter.add.f32 [tilespmem:s16], [sflag:$0x1], $0x1, s3, s12, $0xb8;
	[tilespmem:$0x5280] =	vst v63  }
0x95: {  	_ =	swait.ge [sflag:s11], $0x80  }
0x96: {  	[sflag:s11] =	ssyncset.done $0x0  }
0x97: {  	[sflag:s11] =	ssyncadd.s32 $0xFFFFFF80  }
0x98: {  	[spmem:s2] =	stream.indirect.scatter.add.f32 [tilespmem:s16], [sflag:$0x1], $0x1, s12, s12, $0xb8;
	[tilespmem:$0x5280] =	vst v63  }
0x99: {  	_ =	swait.ge [sflag:s11], $0x80  }
0x9a: {  	[sflag:s11] =	ssyncset.done $0x0  }
0x9b: {  	[sflag:s11] =	ssyncadd.s32 $0xFFFFFF80  }
0x9c: {  	[spmem:s2] =	stream.indirect.scatter.add.f32 [tilespmem:s16], [sflag:$0x1], $0x1, s13, s12, $0xb8;
	[tilespmem:$0x5280] =	vst v63  }
0x9d: {  	_ =	swait.ge [sflag:s11], $0x80  }
0x9e: {  	[sflag:s11] =	ssyncset.done $0x0  }
0x9f: {  	[sflag:s11] =	ssyncadd.s32 $0xFFFFFF80  }
0xa0: {  	[spmem:s2] =	stream.indirect.scatter.add.f32 [tilespmem:s16], [sflag:$0x1], $0x1, s14, s12, $0xb8;
	[tilespmem:$0x5280] =	vst v63  }
0xa1: {  	_ =	swait.ge [sflag:s11], $0x80  }
0xa2: {  	s19 =	sadd.s32 $0x1, s19;
	[sflag:s11] =	ssyncset.done $0x0  }
0xa3: {  	p0 =	sne.s32 s19, s10;
	[sflag:s11] =	ssyncadd.s32 $0xFFFFFF80  }
.Ltmp1:
0xa4: {  	[bflag:$0x0] =	sbarrier.arrive $0xFFFF;
	(pc) =	sbr.rel @p0 .LBB2_1-.Ltmp1, $4  }
0xa5: {  	[hbm:s9], [sflag:s17] =	dma.local [spmem:s18], $0x500  }
0xa6: {  	_ =	swait.ge [sflag:s11], $0x500  }
0xa7: {  	[sflag:s11] =	ssyncset.done $0x0  }
0xa8: {  	[sflag:s11] =	ssyncadd.s32 $0xFFFFFB00  }
0xa9: {  	_ =	sfence.sel $0x180000  }
0xaa: {  	[bflag:$0x0] =	sbarrier.arrive $0xFFFF  }
0xab: {  	p0 =	sne.s32 s0, $0x0;
	_ =	strace $0x90000047  }
0xac: {  	s0 =	sadd.s32 @!p0 $0x100000, s1;
	[bflag:$0x2] =	sbarrier.arrive $0xFFFF  }
0xad: {  	[sflag:s0] =	ssyncadd.tile.s32 @!p0 $0x1;
	_ =	shalt  }
.Lfunc_end2:
_tile_overlayer_lowered:
.L_overlay_start_2:
0xae: {  	(tag) =	ssettag $0x2  }
0xaf: {  	s0 =	rddreg [dreg:$0x0];
	s2 =	stileid.u32  }
0xb0: {  	s1 =	rddreg [dreg:$0x1];
	p0 =	sne.s32 s2, $0x0  }
0xb1: {  	s3 =	rddreg [dreg:$0x2];
	[bflag:$0x3] =	sbarrier.arrive $0xFFFF;
	s2 =	simm.s32 @!p0 $0x1C01  }
0xb2: {  	[timem:s3], [sflag:s2] =	dma.local @!p0 [hbm:s0], s1  }
0xb3: {  	s0 =	simm.s32 @!p0 $0x1  }
0xb4: {  	_ =	swait.ge @!p0 [sflag:s0], s1  }
0xb5: {  	s1 =	ssub.s32 @!p0 $0x0, s1;
	[sflag:s0] =	ssyncset.done @!p0 $0x0  }
0xb6: {  	[sflag:s0] =	ssyncadd.s32 @!p0 s1  }
0xb7: {  	[bflag:$0x3] =	sbarrier.arrive $0xFFFF  }
0xb8: {  	_ =	shalt  }

</sc_bundles>
